<compile_context>
chip_gen: v7x
topology: tpu7x:2x2x1
jax: 0.10.2.dev20260603
libtpu: 0.0.44.dev20260713+nightly
codegen_flags: <defaults>
</compile_context>

<pallas_src>
import functools

import jax
import jax.numpy as jnp
from jax import lax
from jax.experimental import pallas as pl
from jax.experimental.pallas import tpu as pltpu
from jax.experimental.pallas import tpu_sc as plsc

N_NODES = 10000
N_EDGES = 320000
D = 128

NC = 2
NS = 16
NW = NC * NS
K = 128
CH_C0 = 79
CH_C1 = 79
CH_MAX = max(CH_C0, CH_C1)
E_PAD = NS * (CH_C0 + CH_C1) * K
N_PAD = 10240
ROWS_PER_TILE = N_PAD // NS


def _matmul_body(x_ref, w_ref, b_ref, out_ref):
    out_ref[...] = (
        lax.dot_general(
            x_ref[...], w_ref[...],
            dimension_numbers=(((1,), (1,)), ((), ())),
            preferred_element_type=jnp.float32,
        )
        + b_ref[...]
    )


def _linear(x_pad, W, b):
    grid = 8
    blk = N_PAD // grid
    spec = pl.BlockSpec((blk, D), lambda i: (i, 0))
    return pl.pallas_call(
        _matmul_body,
        grid=(grid,),
        in_specs=[
            spec,
            pl.BlockSpec((D, D), lambda i: (0, 0)),
            pl.BlockSpec((1, D), lambda i: (0, 0)),
        ],
        out_specs=spec,
        out_shape=jax.ShapeDtypeStruct((N_PAD, D), jnp.float32),
    )(x_pad, W, b.reshape(1, D))


def _sc_scatter_body(xt_hbm, zeros_hbm, src_hbm, dst_hbm, out_hbm,
                     src_v, dst_a, dst_b, rows_a, rows_b, acc,
                     sem_g, sem_ia, sem_ib):
    c = lax.axis_index("c")
    s = lax.axis_index("s")
    wid = s * NC + c
    chn = lax.select(c == 0, CH_C0, CH_C1)
    pltpu.sync_copy(src_hbm.at[wid], src_v)
    row0 = s * ROWS_PER_TILE

    @pl.when(c == 0)
    def _():
        pltpu.sync_copy(xt_hbm.at[pl.ds(row0, ROWS_PER_TILE)],
                        acc.at[pl.ds(row0, ROWS_PER_TILE)])

    @pl.when(c != 0)
    def _():
        pltpu.sync_copy(zeros_hbm.at[pl.ds(row0, ROWS_PER_TILE)],
                        acc.at[pl.ds(row0, ROWS_PER_TILE)])
    plsc.subcore_barrier()

    def gather(j, rows):
        return pltpu.async_copy(xt_hbm.at[src_v.at[j]], rows, sem_g)

    def wait_gather(j, rows):
        pltpu.make_async_copy(xt_hbm.at[src_v.at[j]], rows, sem_g).wait()

    def load_dst(j, buf, sem):
        return pltpu.async_copy(dst_hbm.at[wid, pl.ds(j, 1)], buf, sem)

    def wait_dst(j, buf, sem):
        pltpu.make_async_copy(dst_hbm.at[wid, pl.ds(j, 1)], buf, sem).wait()

    def scatter(rows, buf):
        pltpu.sync_copy(rows, acc.at[buf.at[0]], add=True)

    load_dst(0, dst_a, sem_ia)
    gather(0, rows_a)
    load_dst(1, dst_b, sem_ib)

    def pair(i, carry):
        j0 = 2 * i
        j1 = j0 + 1
        wait_gather(j0, rows_a)
        gather(j1, rows_b)
        wait_dst(j0, dst_a, sem_ia)
        scatter(rows_a, dst_a)
        load_dst(j0 + 2, dst_a, sem_ia)
        wait_gather(j1, rows_b)
        gather(j0 + 2, rows_a)
        wait_dst(j1, dst_b, sem_ib)
        scatter(rows_b, dst_b)

        @pl.when(j1 + 2 < chn)
        def _():
            load_dst(j1 + 2, dst_b, sem_ib)

        return carry

    lax.fori_loop(0, chn // 2, pair, 0)
    wait_gather(chn - 1, rows_a)
    wait_dst(chn - 1, dst_a, sem_ia)
    scatter(rows_a, dst_a)
    plsc.subcore_barrier()
    pltpu.sync_copy(acc.at[pl.ds(row0, ROWS_PER_TILE)],
                    out_hbm.at[c, pl.ds(row0, ROWS_PER_TILE)])


def _sc_scatter(xt, zeros_hbm, src3, dst3):
    mesh = plsc.VectorSubcoreMesh(
        core_axis_name="c", subcore_axis_name="s",
        num_cores=NC, num_subcores=NS,
    )
    return pl.kernel(
        _sc_scatter_body,
        out_type=jax.ShapeDtypeStruct((NC, N_PAD, D), jnp.float32),
        mesh=mesh,
        scratch_types=[
            pltpu.VMEM((CH_MAX, K), jnp.int32),
            pltpu.VMEM((1, K), jnp.int32),
            pltpu.VMEM((1, K), jnp.int32),
            pltpu.VMEM((K, D), jnp.float32),
            pltpu.VMEM((K, D), jnp.float32),
            pltpu.VMEM_SHARED((N_PAD, D), jnp.float32),
            pltpu.SemaphoreType.DMA,
            pltpu.SemaphoreType.DMA,
            pltpu.SemaphoreType.DMA,
        ],
    )(xt, zeros_hbm, src3, dst3)


def _combine_body(p0_ref, p1_ref, out_ref):
    out_ref[...] = p0_ref[...] + p1_ref[...]


def _combine(p0, p1):
    grid = 5
    blk = N_NODES // grid
    spec = pl.BlockSpec((blk, D), lambda i: (i, 0))
    return pl.pallas_call(
        _combine_body,
        grid=(grid,),
        in_specs=[spec, spec],
        out_specs=spec,
        out_shape=jax.ShapeDtypeStruct((N_NODES, D), jnp.float32),
    )(p0, p1)


@jax.jit
def kernel(x, edge_index, W, b):
    x_pad = jnp.pad(x, ((0, N_PAD - N_NODES), (0, 0)))
    ei = edge_index.astype(jnp.int32)
    pad = E_PAD - N_EDGES
    dummy_dst = N_NODES + jnp.arange(pad, dtype=jnp.int32) % (N_PAD - N_NODES)
    srcp = jnp.concatenate([ei[0], jnp.zeros((pad,), jnp.int32)])
    dstp = jnp.concatenate([ei[1], dummy_dst])

    def _layout(flat):
        e0, e1 = CH_C0 * K, CH_C1 * K
        e_max = CH_MAX * K
        c0 = flat[:NS * e0].reshape(NS, e0)
        c1 = flat[NS * e0:].reshape(NS, e1)
        c0 = jnp.pad(c0, ((0, 0), (0, e_max - e0)))
        c1 = jnp.pad(c1, ((0, 0), (0, e_max - e1)))
        return jnp.stack([c0, c1], axis=1).reshape(NW, CH_MAX, K)

    src3 = _layout(srcp)
    dst3 = _layout(dstp)
    zeros_hbm = jnp.zeros((N_PAD, D), jnp.float32)

    xt = _linear(x_pad, W, b)
    partials = _sc_scatter(xt, zeros_hbm, src3, dst3)
    return _combine(partials[0, :N_NODES], partials[1, :N_NODES])

# --- scband reference (transcript-rebuilt; emitter-appended) ---
"""Pipeline reference for scband-simplified-gcnconv-88313117541032 (READ-ONLY COPY).

The authoritative reference and input builder live on the scoring server;
editing this copy changes nothing except your own understanding.
"""

import jax, jax.numpy as jnp
import numpy as np

N_NODES = 10000
N_EDGES = 320000
D_IN = 128
D_OUT = 128


def setup_inputs(seed: int = 0) -> dict:
    key = jax.random.key(seed)
    k1, k2, k3, k4 = jax.random.split(key, 4)
    x = jax.random.normal(k1, (N_NODES, D_IN), dtype=jnp.float32)
    edge_index = jax.random.randint(k2, (2, N_EDGES), 0, N_NODES, dtype=jnp.int64)
    # nn.Linear(in_channels, out_channels): W [out, in], b [out]
    bound = 1.0 / np.sqrt(D_IN)
    W = jax.random.uniform(k3, (D_OUT, D_IN), minval=-bound, maxval=bound, dtype=jnp.float32)
    b = jax.random.uniform(k4, (D_OUT,), minval=-bound, maxval=bound, dtype=jnp.float32)
    return {"x": x, "edge_index": edge_index, "W": W, "b": b}


def reference(x, edge_index, W, b):
    # x_transformed = self.linear(x)
    x_transformed = x @ W.T + b
    source_nodes = edge_index[0]
    dest_nodes = edge_index[1]
    # scatter-add: neighbor_features[dest] += x_transformed[source]
    gathered = jnp.take(x_transformed, source_nodes, axis=0)
    neighbor_features = jnp.zeros_like(x_transformed).at[dest_nodes].add(gathered)
    final_output = neighbor_features + x_transformed
    return final_output

if __name__ == "__main__":
    import jax
    _d = setup_inputs()
    print(jax.jit(kernel)(*tuple(_d.values())))

</pallas_src>

<mosaic_0001>
#map = affine_map<(d0, d1) -> (0, 0)>
#map1 = affine_map<(d0, d1) -> (0, 0, 0)>
module attributes {stable_mosaic.version = 14 : i64} {
  func.func @_sc_scatter_body(%arg0: i32, %arg1: i32, %arg2: memref<10240x128xf32, #tpu.memory_space<hbm>>, %arg3: memref<10240x128xf32, #tpu.memory_space<hbm>>, %arg4: memref<32x79x128xi32, #tpu.memory_space<hbm>>, %arg5: memref<32x79x128xi32, #tpu.memory_space<hbm>>, %arg6: memref<2x10240x128xf32, #tpu.memory_space<hbm>>, %arg7: memref<79x128xi32, #tpu.memory_space<vmem>>, %arg8: memref<1x128xi32, #tpu.memory_space<vmem>>, %arg9: memref<1x128xi32, #tpu.memory_space<vmem>>, %arg10: memref<128x128xf32, #tpu.memory_space<vmem>>, %arg11: memref<128x128xf32, #tpu.memory_space<vmem>>, %arg12: memref<10240x128xf32, #tpu.memory_space<vmem_shared>>, %arg13: memref<!tpu.dma_semaphore, #tpu.memory_space<semaphore_mem>>, %arg14: memref<!tpu.dma_semaphore, #tpu.memory_space<semaphore_mem>>, %arg15: memref<!tpu.dma_semaphore, #tpu.memory_space<semaphore_mem>>) attributes {dimension_semantics = [#tpu.dimension_semantics<core_parallel>, #tpu.dimension_semantics<subcore_parallel>], iteration_bounds = array<i64: 2, 16>, scalar_prefetch = 0 : i64, scratch_operands = 9 : i64, tpu.core_type = #tpu.core_type<sc_vector_subcore>, window_params = [{transform_indices = #map}, {transform_indices = #map}, {transform_indices = #map1}, {transform_indices = #map1}, {transform_indices = #map1}]} {
    %mul3A = arith.constant 2 : i32
    %mul3A_0 = arith.muli %arg1, %mul3A : i32
    %add3A = arith.addi %mul3A_0, %arg0 : i32
    %eq3A = arith.constant 0 : i32
    %eq3A_1 = arith.cmpi eq, %arg0, %eq3A : i32
    %select_n3A = arith.constant 79 : i32
    %select_n3A_2 = arith.constant 79 : i32
    %select_n3A_3 = arith.select %eq3A_1, %select_n3A_2, %select_n3A : i32
    "tpu.region"() ({
      %run_scoped3A_78 = tpu.sem_alloc : memref<!tpu.dma_semaphore, #tpu.memory_space<semaphore_mem>>
      %dma_start3A_79 = arith.constant 0 : i32
      %dma_start3A_80 = arith.constant 0 : i32
      %dma_start3A_81 = tpu.memref_slice %arg4[%add3A, %dma_start3A_79, %dma_start3A_80] : memref<32x79x128xi32, #tpu.memory_space<hbm>> -> memref<1x79x128xi32, #tpu.memory_space<hbm>>
      %dma_start3A_82 = tpu.memref_squeeze %dma_start3A_81 : memref<1x79x128xi32, #tpu.memory_space<hbm>> -> memref<79x128xi32, #tpu.memory_space<hbm>>
      %dma_start3A_83 = arith.constant 0 : i32
      %dma_start3A_84 = arith.constant 0 : i32
      %dma_start3A_85 = tpu.memref_slice %arg4[%add3A, %dma_start3A_83, %dma_start3A_84] : memref<32x79x128xi32, #tpu.memory_space<hbm>> -> memref<1x79x128xi32, #tpu.memory_space<hbm>>
      %dma_start3A_86 = tpu.memref_squeeze %dma_start3A_85 : memref<1x79x128xi32, #tpu.memory_space<hbm>> -> memref<79x128xi32, #tpu.memory_space<hbm>>
      tpu.enqueue_dma source(%dma_start3A_86 : memref<79x128xi32, #tpu.memory_space<hbm>>) target(%arg7 : memref<79x128xi32, #tpu.memory_space<vmem>>) target_semaphore(%run_scoped3A_78 : memref<!tpu.dma_semaphore, #tpu.memory_space<semaphore_mem>>)
      %dma_wait3A_87 = arith.constant 0 : i32
      %dma_wait3A_88 = arith.constant 0 : i32
      %dma_wait3A_89 = tpu.memref_slice %arg4[%add3A, %dma_wait3A_87, %dma_wait3A_88] : memref<32x79x128xi32, #tpu.memory_space<hbm>> -> memref<1x79x128xi32, #tpu.memory_space<hbm>>
      %dma_wait3A_90 = tpu.memref_squeeze %dma_wait3A_89 : memref<1x79x128xi32, #tpu.memory_space<hbm>> -> memref<79x128xi32, #tpu.memory_space<hbm>>
      %dma_wait3A_91 = arith.constant 0 : i32
      %dma_wait3A_92 = arith.constant 0 : i32
      %dma_wait3A_93 = tpu.memref_slice %arg4[%add3A, %dma_wait3A_91, %dma_wait3A_92] : memref<32x79x128xi32, #tpu.memory_space<hbm>> -> memref<1x79x128xi32, #tpu.memory_space<hbm>>
      %dma_wait3A_94 = tpu.memref_squeeze %dma_wait3A_93 : memref<1x79x128xi32, #tpu.memory_space<hbm>> -> memref<79x128xi32, #tpu.memory_space<hbm>>
      tpu.wait_dma2 semaphore(%run_scoped3A_78 : memref<!tpu.dma_semaphore, #tpu.memory_space<semaphore_mem>>) src(%dma_wait3A_94 : memref<79x128xi32, #tpu.memory_space<hbm>>) dst(%arg7 : memref<79x128xi32, #tpu.memory_space<vmem>>)
      tpu.yield
    }) : () -> ()
    %mul3A_4 = arith.constant 640 : i32
    %mul3A_5 = arith.muli %arg1, %mul3A_4 : i32
    %eq3A_6 = arith.constant 0 : i32
    %eq3A_7 = arith.cmpi eq, %arg0, %eq3A_6 : i32
    %convert_element_type3A = arith.extui %eq3A_7 : i1 to i32
    %cond3A = arith.constant 0 : i32
    %cond3A_8 = arith.cmpi ne, %convert_element_type3A, %cond3A : i32
    scf.if %cond3A_8 {
      "tpu.region"() ({
        %run_scoped3A_78 = tpu.sem_alloc : memref<!tpu.dma_semaphore, #tpu.memory_space<semaphore_mem>>
        %dma_start3A_79 = arith.constant 0 : i32
        %dma_start3A_80 = tpu.memref_slice %arg12[%mul3A_5, %dma_start3A_79] : memref<10240x128xf32, #tpu.memory_space<vmem_shared>> -> memref<640x128xf32, #tpu.memory_space<vmem_shared>>
        %dma_start3A_81 = arith.constant 0 : i32
        %dma_start3A_82 = tpu.memref_slice %arg2[%mul3A_5, %dma_start3A_81] : memref<10240x128xf32, #tpu.memory_space<hbm>> -> memref<640x128xf32, #tpu.memory_space<hbm>>
        tpu.enqueue_dma source(%dma_start3A_82 : memref<640x128xf32, #tpu.memory_space<hbm>>) target(%dma_start3A_80 : memref<640x128xf32, #tpu.memory_space<vmem_shared>>) target_semaphore(%run_scoped3A_78 : memref<!tpu.dma_semaphore, #tpu.memory_space<semaphore_mem>>)
        %dma_wait3A_83 = arith.constant 0 : i32
        %dma_wait3A_84 = tpu.memref_slice %arg12[%mul3A_5, %dma_wait3A_83] : memref<10240x128xf32, #tpu.memory_space<vmem_shared>> -> memref<640x128xf32, #tpu.memory_space<vmem_shared>>
        %dma_wait3A_85 = arith.constant 0 : i32
        %dma_wait3A_86 = tpu.memref_slice %arg2[%mul3A_5, %dma_wait3A_85] : memref<10240x128xf32, #tpu.memory_space<hbm>> -> memref<640x128xf32, #tpu.memory_space<hbm>>
        tpu.wait_dma2 semaphore(%run_scoped3A_78 : memref<!tpu.dma_semaphore, #tpu.memory_space<semaphore_mem>>) src(%dma_wait3A_86 : memref<640x128xf32, #tpu.memory_space<hbm>>) dst(%dma_wait3A_84 : memref<640x128xf32, #tpu.memory_space<vmem_shared>>)
        tpu.yield
      }) : () -> ()
    } else {
    }
    %ne3A = arith.constant 0 : i32
    %ne3A_9 = arith.cmpi ne, %arg0, %ne3A : i32
    %convert_element_type3A_10 = arith.extui %ne3A_9 : i1 to i32
    %cond3A_11 = arith.constant 0 : i32
    %cond3A_12 = arith.cmpi ne, %convert_element_type3A_10, %cond3A_11 : i32
    scf.if %cond3A_12 {
      "tpu.region"() ({
        %run_scoped3A_78 = tpu.sem_alloc : memref<!tpu.dma_semaphore, #tpu.memory_space<semaphore_mem>>
        %dma_start3A_79 = arith.constant 0 : i32
        %dma_start3A_80 = tpu.memref_slice %arg12[%mul3A_5, %dma_start3A_79] : memref<10240x128xf32, #tpu.memory_space<vmem_shared>> -> memref<640x128xf32, #tpu.memory_space<vmem_shared>>
        %dma_start3A_81 = arith.constant 0 : i32
        %dma_start3A_82 = tpu.memref_slice %arg3[%mul3A_5, %dma_start3A_81] : memref<10240x128xf32, #tpu.memory_space<hbm>> -> memref<640x128xf32, #tpu.memory_space<hbm>>
        tpu.enqueue_dma source(%dma_start3A_82 : memref<640x128xf32, #tpu.memory_space<hbm>>) target(%dma_start3A_80 : memref<640x128xf32, #tpu.memory_space<vmem_shared>>) target_semaphore(%run_scoped3A_78 : memref<!tpu.dma_semaphore, #tpu.memory_space<semaphore_mem>>)
        %dma_wait3A_83 = arith.constant 0 : i32
        %dma_wait3A_84 = tpu.memref_slice %arg12[%mul3A_5, %dma_wait3A_83] : memref<10240x128xf32, #tpu.memory_space<vmem_shared>> -> memref<640x128xf32, #tpu.memory_space<vmem_shared>>
        %dma_wait3A_85 = arith.constant 0 : i32
        %dma_wait3A_86 = tpu.memref_slice %arg3[%mul3A_5, %dma_wait3A_85] : memref<10240x128xf32, #tpu.memory_space<hbm>> -> memref<640x128xf32, #tpu.memory_space<hbm>>
        tpu.wait_dma2 semaphore(%run_scoped3A_78 : memref<!tpu.dma_semaphore, #tpu.memory_space<semaphore_mem>>) src(%dma_wait3A_86 : memref<640x128xf32, #tpu.memory_space<hbm>>) dst(%dma_wait3A_84 : memref<640x128xf32, #tpu.memory_space<vmem_shared>>)
        tpu.yield
      }) : () -> ()
    } else {
    }
    %barrier3A = arith.constant 0 : index
    tpu.barrier barrier_id(%barrier3A)
    %dma_start3A = arith.constant 0 : i32
    %dma_start3A_13 = arith.constant 0 : i32
    %dma_start3A_14 = tpu.memref_slice %arg5[%add3A, %dma_start3A, %dma_start3A_13] : memref<32x79x128xi32, #tpu.memory_space<hbm>> -> memref<1x1x128xi32, #tpu.memory_space<hbm>>
    %dma_start3A_15 = tpu.memref_squeeze %dma_start3A_14 : memref<1x1x128xi32, #tpu.memory_space<hbm>> -> memref<1x128xi32, #tpu.memory_space<hbm>>
    %dma_start3A_16 = arith.constant 0 : i32
    %dma_start3A_17 = arith.constant 0 : i32
    %dma_start3A_18 = tpu.memref_slice %arg5[%add3A, %dma_start3A_16, %dma_start3A_17] : memref<32x79x128xi32, #tpu.memory_space<hbm>> -> memref<1x1x128xi32, #tpu.memory_space<hbm>>
    %dma_start3A_19 = tpu.memref_squeeze %dma_start3A_18 : memref<1x1x128xi32, #tpu.memory_space<hbm>> -> memref<1x128xi32, #tpu.memory_space<hbm>>
    tpu.enqueue_dma source(%dma_start3A_19 : memref<1x128xi32, #tpu.memory_space<hbm>>) target(%arg8 : memref<1x128xi32, #tpu.memory_space<vmem>>) target_semaphore(%arg14 : memref<!tpu.dma_semaphore, #tpu.memory_space<semaphore_mem>>)
    %dma_start3A_20 = arith.constant 0 : i32
    %dma_start3A_21 = arith.constant 0 : i32
    %dma_start3A_22 = tpu.memref_slice %arg7[%dma_start3A_20, %dma_start3A_21] : memref<79x128xi32, #tpu.memory_space<vmem>> -> memref<1x128xi32, #tpu.memory_space<vmem>>
    %dma_start3A_23 = tpu.memref_squeeze %dma_start3A_22 : memref<1x128xi32, #tpu.memory_space<vmem>> -> memref<128xi32, #tpu.memory_space<vmem>>
    %dma_start3A_24 = arith.constant 0 : i32
    %dma_start3A_25 = arith.constant 0 : i32
    %dma_start3A_26 = tpu.memref_slice %arg2[%dma_start3A_24, %dma_start3A_25] : memref<10240x128xf32, #tpu.memory_space<hbm>> -> memref<10240x128xf32, #tpu.memory_space<hbm>>
    tpu.enqueue_indirect_dma source(%dma_start3A_26 : memref<10240x128xf32, #tpu.memory_space<hbm>>) target(%arg10 : memref<128x128xf32, #tpu.memory_space<vmem>>) offsets(%dma_start3A_23 : memref<128xi32, #tpu.memory_space<vmem>>) semaphore(%arg13 : memref<!tpu.dma_semaphore, #tpu.memory_space<semaphore_mem>>)
    %dma_start3A_27 = arith.constant 1 : i32
    %dma_start3A_28 = arith.constant 0 : i32
    %dma_start3A_29 = tpu.memref_slice %arg5[%add3A, %dma_start3A_27, %dma_start3A_28] : memref<32x79x128xi32, #tpu.memory_space<hbm>> -> memref<1x1x128xi32, #tpu.memory_space<hbm>>
    %dma_start3A_30 = tpu.memref_squeeze %dma_start3A_29 : memref<1x1x128xi32, #tpu.memory_space<hbm>> -> memref<1x128xi32, #tpu.memory_space<hbm>>
    %dma_start3A_31 = arith.constant 1 : i32
    %dma_start3A_32 = arith.constant 0 : i32
    %dma_start3A_33 = tpu.memref_slice %arg5[%add3A, %dma_start3A_31, %dma_start3A_32] : memref<32x79x128xi32, #tpu.memory_space<hbm>> -> memref<1x1x128xi32, #tpu.memory_space<hbm>>
    %dma_start3A_34 = tpu.memref_squeeze %dma_start3A_33 : memref<1x1x128xi32, #tpu.memory_space<hbm>> -> memref<1x128xi32, #tpu.memory_space<hbm>>
    tpu.enqueue_dma source(%dma_start3A_34 : memref<1x128xi32, #tpu.memory_space<hbm>>) target(%arg9 : memref<1x128xi32, #tpu.memory_space<vmem>>) target_semaphore(%arg15 : memref<!tpu.dma_semaphore, #tpu.memory_space<semaphore_mem>>)
    %jit3A = arith.constant 2 : i32
    %div3A = arith.divsi %select_n3A_3, %jit3A : i32
    %sign3A = arith.constant 0 : i32
    %sign3A_35 = arith.cmpi sgt, %select_n3A_3, %sign3A : i32
    %sign3A_36 = arith.extui %sign3A_35 : i1 to i32
    %sign3A_37 = arith.constant 0 : i32
    %sign3A_38 = arith.cmpi slt, %select_n3A_3, %sign3A_37 : i32
    %sign3A_39 = arith.extui %sign3A_38 : i1 to i32
    %sign3A_40 = arith.subi %sign3A_36, %sign3A_39 : i32
    %sign3A_41 = arith.constant 0 : i32
    %sign3A_42 = arith.cmpi sgt, %jit3A, %sign3A_41 : i32
    %sign3A_43 = arith.extui %sign3A_42 : i1 to i32
    %sign3A_44 = arith.constant 0 : i32
    %sign3A_45 = arith.cmpi slt, %jit3A, %sign3A_44 : i32
    %sign3A_46 = arith.extui %sign3A_45 : i1 to i32
    %sign3A_47 = arith.subi %sign3A_43, %sign3A_46 : i32
    %ne3A_48 = arith.cmpi ne, %sign3A_40, %sign3A_47 : i32
    %rem3A = arith.remsi %select_n3A_3, %jit3A : i32
    %ne3A_49 = arith.constant 0 : i32
    %ne3A_50 = arith.cmpi ne, %rem3A, %ne3A_49 : i32
    %and3A = arith.andi %ne3A_48, %ne3A_50 : i1
    %sub3A = arith.constant 1 : i32
    %sub3A_51 = arith.subi %div3A, %sub3A : i32
    %select_n3A_52 = arith.select %and3A, %sub3A_51, %div3A : i32
    %while3A = arith.constant 0 : i32
    %while3A_53 = arith.constant 0 : i32
    %while3A_54 = arith.subi %select_n3A_52, %while3A_53 : i32
    %while3A_55 = arith.addi %while3A_53, %while3A_54 : i32
    %while3A_56 = arith.constant 1 : i32
    %while3A_57 = arith.divsi %while3A_54, %while3A_56 : i32
    %while3A_58 = arith.muli %while3A_57, %while3A_56 : i32
    %while3A_59 = arith.addi %while3A_53, %while3A_58 : i32
    %while3A_60 = arith.constant 1 : i32
    scf.for %while3A_78 = %while3A_53 to %while3A_59 step %while3A_60  : i32 {
      %mul3A_79 = arith.constant 2 : i32
      %mul3A_80 = arith.muli %mul3A_79, %while3A_78 : i32
      %add3A_81 = arith.constant 1 : i32
      %add3A_82 = arith.addi %mul3A_80, %add3A_81 : i32
      %dma_wait3A_83 = arith.constant 0 : i32
      %dma_wait3A_84 = tpu.memref_slice %arg7[%mul3A_80, %dma_wait3A_83] : memref<79x128xi32, #tpu.memory_space<vmem>> -> memref<1x128xi32, #tpu.memory_space<vmem>>
      %dma_wait3A_85 = tpu.memref_squeeze %dma_wait3A_84 : memref<1x128xi32, #tpu.memory_space<vmem>> -> memref<128xi32, #tpu.memory_space<vmem>>
      %dma_wait3A_86 = arith.constant 0 : i32
      %dma_wait3A_87 = arith.constant 0 : i32
      %dma_wait3A_88 = tpu.memref_slice %arg2[%dma_wait3A_86, %dma_wait3A_87] : memref<10240x128xf32, #tpu.memory_space<hbm>> -> memref<10240x128xf32, #tpu.memory_space<hbm>>
      tpu.wait_indirect_dma semaphore(%arg13 : memref<!tpu.dma_semaphore, #tpu.memory_space<semaphore_mem>>) src(%dma_wait3A_88 : memref<10240x128xf32, #tpu.memory_space<hbm>>) dst(%arg10 : memref<128x128xf32, #tpu.memory_space<vmem>>)
      %dma_start3A_89 = arith.constant 0 : i32
      %dma_start3A_90 = tpu.memref_slice %arg7[%add3A_82, %dma_start3A_89] : memref<79x128xi32, #tpu.memory_space<vmem>> -> memref<1x128xi32, #tpu.memory_space<vmem>>
      %dma_start3A_91 = tpu.memref_squeeze %dma_start3A_90 : memref<1x128xi32, #tpu.memory_space<vmem>> -> memref<128xi32, #tpu.memory_space<vmem>>
      %dma_start3A_92 = arith.constant 0 : i32
      %dma_start3A_93 = arith.constant 0 : i32
      %dma_start3A_94 = tpu.memref_slice %arg2[%dma_start3A_92, %dma_start3A_93] : memref<10240x128xf32, #tpu.memory_space<hbm>> -> memref<10240x128xf32, #tpu.memory_space<hbm>>
      tpu.enqueue_indirect_dma source(%dma_start3A_94 : memref<10240x128xf32, #tpu.memory_space<hbm>>) target(%arg11 : memref<128x128xf32, #tpu.memory_space<vmem>>) offsets(%dma_start3A_91 : memref<128xi32, #tpu.memory_space<vmem>>) semaphore(%arg13 : memref<!tpu.dma_semaphore, #tpu.memory_space<semaphore_mem>>)
      %dma_wait3A_95 = arith.constant 0 : i32
      %dma_wait3A_96 = tpu.memref_slice %arg5[%add3A, %mul3A_80, %dma_wait3A_95] : memref<32x79x128xi32, #tpu.memory_space<hbm>> -> memref<1x1x128xi32, #tpu.memory_space<hbm>>
      %dma_wait3A_97 = tpu.memref_squeeze %dma_wait3A_96 : memref<1x1x128xi32, #tpu.memory_space<hbm>> -> memref<1x128xi32, #tpu.memory_space<hbm>>
      %dma_wait3A_98 = arith.constant 0 : i32
      %dma_wait3A_99 = tpu.memref_slice %arg5[%add3A, %mul3A_80, %dma_wait3A_98] : memref<32x79x128xi32, #tpu.memory_space<hbm>> -> memref<1x1x128xi32, #tpu.memory_space<hbm>>
      %dma_wait3A_100 = tpu.memref_squeeze %dma_wait3A_99 : memref<1x1x128xi32, #tpu.memory_space<hbm>> -> memref<1x128xi32, #tpu.memory_space<hbm>>
      tpu.wait_dma2 semaphore(%arg14 : memref<!tpu.dma_semaphore, #tpu.memory_space<semaphore_mem>>) src(%dma_wait3A_100 : memref<1x128xi32, #tpu.memory_space<hbm>>) dst(%arg8 : memref<1x128xi32, #tpu.memory_space<vmem>>)
      %run_scoped3A_101 = arith.constant 0 : i32
      "tpu.region"() ({
        %run_scoped3A_136 = tpu.sem_alloc : memref<!tpu.dma_semaphore, #tpu.memory_space<semaphore_mem>>
        %dma_start3A_137 = arith.constant 0 : i32
        %dma_start3A_138 = tpu.memref_slice %arg8[%run_scoped3A_101, %dma_start3A_137] : memref<1x128xi32, #tpu.memory_space<vmem>> -> memref<1x128xi32, #tpu.memory_space<vmem>>
        %dma_start3A_139 = tpu.memref_squeeze %dma_start3A_138 : memref<1x128xi32, #tpu.memory_space<vmem>> -> memref<128xi32, #tpu.memory_space<vmem>>
        %dma_start3A_140 = arith.constant 0 : i32
        %dma_start3A_141 = arith.constant 0 : i32
        %dma_start3A_142 = tpu.memref_slice %arg12[%dma_start3A_140, %dma_start3A_141] : memref<10240x128xf32, #tpu.memory_space<vmem_shared>> -> memref<10240x128xf32, #tpu.memory_space<vmem_shared>>
        tpu.enqueue_indirect_dma source(%arg10 : memref<128x128xf32, #tpu.memory_space<vmem>>) target(%dma_start3A_142 : memref<10240x128xf32, #tpu.memory_space<vmem_shared>>) offsets(%dma_start3A_139 : memref<128xi32, #tpu.memory_space<vmem>>) semaphore(%run_scoped3A_136 : memref<!tpu.dma_semaphore, #tpu.memory_space<semaphore_mem>>) {add = true}
        %dma_wait3A_143 = arith.constant 0 : i32
        %dma_wait3A_144 = tpu.memref_slice %arg8[%run_scoped3A_101, %dma_wait3A_143] : memref<1x128xi32, #tpu.memory_space<vmem>> -> memref<1x128xi32, #tpu.memory_space<vmem>>
        %dma_wait3A_145 = tpu.memref_squeeze %dma_wait3A_144 : memref<1x128xi32, #tpu.memory_space<vmem>> -> memref<128xi32, #tpu.memory_space<vmem>>
        %dma_wait3A_146 = arith.constant 0 : i32
        %dma_wait3A_147 = arith.constant 0 : i32
        %dma_wait3A_148 = tpu.memref_slice %arg12[%dma_wait3A_146, %dma_wait3A_147] : memref<10240x128xf32, #tpu.memory_space<vmem_shared>> -> memref<10240x128xf32, #tpu.memory_space<vmem_shared>>
        tpu.wait_indirect_dma semaphore(%run_scoped3A_136 : memref<!tpu.dma_semaphore, #tpu.memory_space<semaphore_mem>>) src(%arg10 : memref<128x128xf32, #tpu.memory_space<vmem>>) dst(%dma_wait3A_148 : memref<10240x128xf32, #tpu.memory_space<vmem_shared>>)
        tpu.yield
      }) : () -> ()
      %add3A_102 = arith.constant 2 : i32
      %add3A_103 = arith.addi %mul3A_80, %add3A_102 : i32
      %dma_start3A_104 = arith.constant 0 : i32
      %dma_start3A_105 = tpu.memref_slice %arg5[%add3A, %add3A_103, %dma_start3A_104] : memref<32x79x128xi32, #tpu.memory_space<hbm>> -> memref<1x1x128xi32, #tpu.memory_space<hbm>>
      %dma_start3A_106 = tpu.memref_squeeze %dma_start3A_105 : memref<1x1x128xi32, #tpu.memory_space<hbm>> -> memref<1x128xi32, #tpu.memory_space<hbm>>
      %dma_start3A_107 = arith.constant 0 : i32
      %dma_start3A_108 = tpu.memref_slice %arg5[%add3A, %add3A_103, %dma_start3A_107] : memref<32x79x128xi32, #tpu.memory_space<hbm>> -> memref<1x1x128xi32, #tpu.memory_space<hbm>>
      %dma_start3A_109 = tpu.memref_squeeze %dma_start3A_108 : memref<1x1x128xi32, #tpu.memory_space<hbm>> -> memref<1x128xi32, #tpu.memory_space<hbm>>
      tpu.enqueue_dma source(%dma_start3A_109 : memref<1x128xi32, #tpu.memory_space<hbm>>) target(%arg8 : memref<1x128xi32, #tpu.memory_space<vmem>>) target_semaphore(%arg14 : memref<!tpu.dma_semaphore, #tpu.memory_space<semaphore_mem>>)
      %dma_wait3A_110 = arith.constant 0 : i32
      %dma_wait3A_111 = tpu.memref_slice %arg7[%add3A_82, %dma_wait3A_110] : memref<79x128xi32, #tpu.memory_space<vmem>> -> memref<1x128xi32, #tpu.memory_space<vmem>>
      %dma_wait3A_112 = tpu.memref_squeeze %dma_wait3A_111 : memref<1x128xi32, #tpu.memory_space<vmem>> -> memref<128xi32, #tpu.memory_space<vmem>>
      %dma_wait3A_113 = arith.constant 0 : i32
      %dma_wait3A_114 = arith.constant 0 : i32
      %dma_wait3A_115 = tpu.memref_slice %arg2[%dma_wait3A_113, %dma_wait3A_114] : memref<10240x128xf32, #tpu.memory_space<hbm>> -> memref<10240x128xf32, #tpu.memory_space<hbm>>
      tpu.wait_indirect_dma semaphore(%arg13 : memref<!tpu.dma_semaphore, #tpu.memory_space<semaphore_mem>>) src(%dma_wait3A_115 : memref<10240x128xf32, #tpu.memory_space<hbm>>) dst(%arg11 : memref<128x128xf32, #tpu.memory_space<vmem>>)
      %add3A_116 = arith.constant 2 : i32
      %add3A_117 = arith.addi %mul3A_80, %add3A_116 : i32
      %dma_start3A_118 = arith.constant 0 : i32
      %dma_start3A_119 = tpu.memref_slice %arg7[%add3A_117, %dma_start3A_118] : memref<79x128xi32, #tpu.memory_space<vmem>> -> memref<1x128xi32, #tpu.memory_space<vmem>>
      %dma_start3A_120 = tpu.memref_squeeze %dma_start3A_119 : memref<1x128xi32, #tpu.memory_space<vmem>> -> memref<128xi32, #tpu.memory_space<vmem>>
      %dma_start3A_121 = arith.constant 0 : i32
      %dma_start3A_122 = arith.constant 0 : i32
      %dma_start3A_123 = tpu.memref_slice %arg2[%dma_start3A_121, %dma_start3A_122] : memref<10240x128xf32, #tpu.memory_space<hbm>> -> memref<10240x128xf32, #tpu.memory_space<hbm>>
      tpu.enqueue_indirect_dma source(%dma_start3A_123 : memref<10240x128xf32, #tpu.memory_space<hbm>>) target(%arg10 : memref<128x128xf32, #tpu.memory_space<vmem>>) offsets(%dma_start3A_120 : memref<128xi32, #tpu.memory_space<vmem>>) semaphore(%arg13 : memref<!tpu.dma_semaphore, #tpu.memory_space<semaphore_mem>>)
      %dma_wait3A_124 = arith.constant 0 : i32
      %dma_wait3A_125 = tpu.memref_slice %arg5[%add3A, %add3A_82, %dma_wait3A_124] : memref<32x79x128xi32, #tpu.memory_space<hbm>> -> memref<1x1x128xi32, #tpu.memory_space<hbm>>
      %dma_wait3A_126 = tpu.memref_squeeze %dma_wait3A_125 : memref<1x1x128xi32, #tpu.memory_space<hbm>> -> memref<1x128xi32, #tpu.memory_space<hbm>>
      %dma_wait3A_127 = arith.constant 0 : i32
      %dma_wait3A_128 = tpu.memref_slice %arg5[%add3A, %add3A_82, %dma_wait3A_127] : memref<32x79x128xi32, #tpu.memory_space<hbm>> -> memref<1x1x128xi32, #tpu.memory_space<hbm>>
      %dma_wait3A_129 = tpu.memref_squeeze %dma_wait3A_128 : memref<1x1x128xi32, #tpu.memory_space<hbm>> -> memref<1x128xi32, #tpu.memory_space<hbm>>
      tpu.wait_dma2 semaphore(%arg15 : memref<!tpu.dma_semaphore, #tpu.memory_space<semaphore_mem>>) src(%dma_wait3A_129 : memref<1x128xi32, #tpu.memory_space<hbm>>) dst(%arg9 : memref<1x128xi32, #tpu.memory_space<vmem>>)
      %run_scoped3A_130 = arith.constant 0 : i32
      "tpu.region"() ({
        %run_scoped3A_136 = tpu.sem_alloc : memref<!tpu.dma_semaphore, #tpu.memory_space<semaphore_mem>>
        %dma_start3A_137 = arith.constant 0 : i32
        %dma_start3A_138 = tpu.memref_slice %arg9[%run_scoped3A_130, %dma_start3A_137] : memref<1x128xi32, #tpu.memory_space<vmem>> -> memref<1x128xi32, #tpu.memory_space<vmem>>
        %dma_start3A_139 = tpu.memref_squeeze %dma_start3A_138 : memref<1x128xi32, #tpu.memory_space<vmem>> -> memref<128xi32, #tpu.memory_space<vmem>>
        %dma_start3A_140 = arith.constant 0 : i32
        %dma_start3A_141 = arith.constant 0 : i32
        %dma_start3A_142 = tpu.memref_slice %arg12[%dma_start3A_140, %dma_start3A_141] : memref<10240x128xf32, #tpu.memory_space<vmem_shared>> -> memref<10240x128xf32, #tpu.memory_space<vmem_shared>>
        tpu.enqueue_indirect_dma source(%arg11 : memref<128x128xf32, #tpu.memory_space<vmem>>) target(%dma_start3A_142 : memref<10240x128xf32, #tpu.memory_space<vmem_shared>>) offsets(%dma_start3A_139 : memref<128xi32, #tpu.memory_space<vmem>>) semaphore(%run_scoped3A_136 : memref<!tpu.dma_semaphore, #tpu.memory_space<semaphore_mem>>) {add = true}
        %dma_wait3A_143 = arith.constant 0 : i32
        %dma_wait3A_144 = tpu.memref_slice %arg9[%run_scoped3A_130, %dma_wait3A_143] : memref<1x128xi32, #tpu.memory_space<vmem>> -> memref<1x128xi32, #tpu.memory_space<vmem>>
        %dma_wait3A_145 = tpu.memref_squeeze %dma_wait3A_144 : memref<1x128xi32, #tpu.memory_space<vmem>> -> memref<128xi32, #tpu.memory_space<vmem>>
        %dma_wait3A_146 = arith.constant 0 : i32
        %dma_wait3A_147 = arith.constant 0 : i32
        %dma_wait3A_148 = tpu.memref_slice %arg12[%dma_wait3A_146, %dma_wait3A_147] : memref<10240x128xf32, #tpu.memory_space<vmem_shared>> -> memref<10240x128xf32, #tpu.memory_space<vmem_shared>>
        tpu.wait_indirect_dma semaphore(%run_scoped3A_136 : memref<!tpu.dma_semaphore, #tpu.memory_space<semaphore_mem>>) src(%arg11 : memref<128x128xf32, #tpu.memory_space<vmem>>) dst(%dma_wait3A_148 : memref<10240x128xf32, #tpu.memory_space<vmem_shared>>)
        tpu.yield
      }) : () -> ()
      %add3A_131 = arith.constant 2 : i32
      %add3A_132 = arith.addi %add3A_82, %add3A_131 : i32
      %lt3A = arith.cmpi slt, %add3A_132, %select_n3A_3 : i32
      %convert_element_type3A_133 = arith.extui %lt3A : i1 to i32
      %cond3A_134 = arith.constant 0 : i32
      %cond3A_135 = arith.cmpi ne, %convert_element_type3A_133, %cond3A_134 : i32
      scf.if %cond3A_135 {
        %add3A_136 = arith.constant 2 : i32
        %add3A_137 = arith.addi %add3A_82, %add3A_136 : i32
        %dma_start3A_138 = arith.constant 0 : i32
        %dma_start3A_139 = tpu.memref_slice %arg5[%add3A, %add3A_137, %dma_start3A_138] : memref<32x79x128xi32, #tpu.memory_space<hbm>> -> memref<1x1x128xi32, #tpu.memory_space<hbm>>
        %dma_start3A_140 = tpu.memref_squeeze %dma_start3A_139 : memref<1x1x128xi32, #tpu.memory_space<hbm>> -> memref<1x128xi32, #tpu.memory_space<hbm>>
        %dma_start3A_141 = arith.constant 0 : i32
        %dma_start3A_142 = tpu.memref_slice %arg5[%add3A, %add3A_137, %dma_start3A_141] : memref<32x79x128xi32, #tpu.memory_space<hbm>> -> memref<1x1x128xi32, #tpu.memory_space<hbm>>
        %dma_start3A_143 = tpu.memref_squeeze %dma_start3A_142 : memref<1x1x128xi32, #tpu.memory_space<hbm>> -> memref<1x128xi32, #tpu.memory_space<hbm>>
        tpu.enqueue_dma source(%dma_start3A_143 : memref<1x128xi32, #tpu.memory_space<hbm>>) target(%arg9 : memref<1x128xi32, #tpu.memory_space<vmem>>) target_semaphore(%arg15 : memref<!tpu.dma_semaphore, #tpu.memory_space<semaphore_mem>>)
      } else {
      }
    }
    %while3A_61 = arith.constant 1 : i32
    scf.for %while3A_78 = %while3A_59 to %while3A_55 step %while3A_61  : i32 {
      %mul3A_79 = arith.constant 2 : i32
      %mul3A_80 = arith.muli %mul3A_79, %while3A_78 : i32
      %add3A_81 = arith.constant 1 : i32
      %add3A_82 = arith.addi %mul3A_80, %add3A_81 : i32
      %dma_wait3A_83 = arith.constant 0 : i32
      %dma_wait3A_84 = tpu.memref_slice %arg7[%mul3A_80, %dma_wait3A_83] : memref<79x128xi32, #tpu.memory_space<vmem>> -> memref<1x128xi32, #tpu.memory_space<vmem>>
      %dma_wait3A_85 = tpu.memref_squeeze %dma_wait3A_84 : memref<1x128xi32, #tpu.memory_space<vmem>> -> memref<128xi32, #tpu.memory_space<vmem>>
      %dma_wait3A_86 = arith.constant 0 : i32
      %dma_wait3A_87 = arith.constant 0 : i32
      %dma_wait3A_88 = tpu.memref_slice %arg2[%dma_wait3A_86, %dma_wait3A_87] : memref<10240x128xf32, #tpu.memory_space<hbm>> -> memref<10240x128xf32, #tpu.memory_space<hbm>>
      tpu.wait_indirect_dma semaphore(%arg13 : memref<!tpu.dma_semaphore, #tpu.memory_space<semaphore_mem>>) src(%dma_wait3A_88 : memref<10240x128xf32, #tpu.memory_space<hbm>>) dst(%arg10 : memref<128x128xf32, #tpu.memory_space<vmem>>)
      %dma_start3A_89 = arith.constant 0 : i32
      %dma_start3A_90 = tpu.memref_slice %arg7[%add3A_82, %dma_start3A_89] : memref<79x128xi32, #tpu.memory_space<vmem>> -> memref<1x128xi32, #tpu.memory_space<vmem>>
      %dma_start3A_91 = tpu.memref_squeeze %dma_start3A_90 : memref<1x128xi32, #tpu.memory_space<vmem>> -> memref<128xi32, #tpu.memory_space<vmem>>
      %dma_start3A_92 = arith.constant 0 : i32
      %dma_start3A_93 = arith.constant 0 : i32
      %dma_start3A_94 = tpu.memref_slice %arg2[%dma_start3A_92, %dma_start3A_93] : memref<10240x128xf32, #tpu.memory_space<hbm>> -> memref<10240x128xf32, #tpu.memory_space<hbm>>
      tpu.enqueue_indirect_dma source(%dma_start3A_94 : memref<10240x128xf32, #tpu.memory_space<hbm>>) target(%arg11 : memref<128x128xf32, #tpu.memory_space<vmem>>) offsets(%dma_start3A_91 : memref<128xi32, #tpu.memory_space<vmem>>) semaphore(%arg13 : memref<!tpu.dma_semaphore, #tpu.memory_space<semaphore_mem>>)
      %dma_wait3A_95 = arith.constant 0 : i32
      %dma_wait3A_96 = tpu.memref_slice %arg5[%add3A, %mul3A_80, %dma_wait3A_95] : memref<32x79x128xi32, #tpu.memory_space<hbm>> -> memref<1x1x128xi32, #tpu.memory_space<hbm>>
      %dma_wait3A_97 = tpu.memref_squeeze %dma_wait3A_96 : memref<1x1x128xi32, #tpu.memory_space<hbm>> -> memref<1x128xi32, #tpu.memory_space<hbm>>
      %dma_wait3A_98 = arith.constant 0 : i32
      %dma_wait3A_99 = tpu.memref_slice %arg5[%add3A, %mul3A_80, %dma_wait3A_98] : memref<32x79x128xi32, #tpu.memory_space<hbm>> -> memref<1x1x128xi32, #tpu.memory_space<hbm>>
      %dma_wait3A_100 = tpu.memref_squeeze %dma_wait3A_99 : memref<1x1x128xi32, #tpu.memory_space<hbm>> -> memref<1x128xi32, #tpu.memory_space<hbm>>
      tpu.wait_dma2 semaphore(%arg14 : memref<!tpu.dma_semaphore, #tpu.memory_space<semaphore_mem>>) src(%dma_wait3A_100 : memref<1x128xi32, #tpu.memory_space<hbm>>) dst(%arg8 : memref<1x128xi32, #tpu.memory_space<vmem>>)
      %run_scoped3A_101 = arith.constant 0 : i32
      "tpu.region"() ({
        %run_scoped3A_136 = tpu.sem_alloc : memref<!tpu.dma_semaphore, #tpu.memory_space<semaphore_mem>>
        %dma_start3A_137 = arith.constant 0 : i32
        %dma_start3A_138 = tpu.memref_slice %arg8[%run_scoped3A_101, %dma_start3A_137] : memref<1x128xi32, #tpu.memory_space<vmem>> -> memref<1x128xi32, #tpu.memory_space<vmem>>
        %dma_start3A_139 = tpu.memref_squeeze %dma_start3A_138 : memref<1x128xi32, #tpu.memory_space<vmem>> -> memref<128xi32, #tpu.memory_space<vmem>>
        %dma_start3A_140 = arith.constant 0 : i32
        %dma_start3A_141 = arith.constant 0 : i32
        %dma_start3A_142 = tpu.memref_slice %arg12[%dma_start3A_140, %dma_start3A_141] : memref<10240x128xf32, #tpu.memory_space<vmem_shared>> -> memref<10240x128xf32, #tpu.memory_space<vmem_shared>>
        tpu.enqueue_indirect_dma source(%arg10 : memref<128x128xf32, #tpu.memory_space<vmem>>) target(%dma_start3A_142 : memref<10240x128xf32, #tpu.memory_space<vmem_shared>>) offsets(%dma_start3A_139 : memref<128xi32, #tpu.memory_space<vmem>>) semaphore(%run_scoped3A_136 : memref<!tpu.dma_semaphore, #tpu.memory_space<semaphore_mem>>) {add = true}
        %dma_wait3A_143 = arith.constant 0 : i32
        %dma_wait3A_144 = tpu.memref_slice %arg8[%run_scoped3A_101, %dma_wait3A_143] : memref<1x128xi32, #tpu.memory_space<vmem>> -> memref<1x128xi32, #tpu.memory_space<vmem>>
        %dma_wait3A_145 = tpu.memref_squeeze %dma_wait3A_144 : memref<1x128xi32, #tpu.memory_space<vmem>> -> memref<128xi32, #tpu.memory_space<vmem>>
        %dma_wait3A_146 = arith.constant 0 : i32
        %dma_wait3A_147 = arith.constant 0 : i32
        %dma_wait3A_148 = tpu.memref_slice %arg12[%dma_wait3A_146, %dma_wait3A_147] : memref<10240x128xf32, #tpu.memory_space<vmem_shared>> -> memref<10240x128xf32, #tpu.memory_space<vmem_shared>>
        tpu.wait_indirect_dma semaphore(%run_scoped3A_136 : memref<!tpu.dma_semaphore, #tpu.memory_space<semaphore_mem>>) src(%arg10 : memref<128x128xf32, #tpu.memory_space<vmem>>) dst(%dma_wait3A_148 : memref<10240x128xf32, #tpu.memory_space<vmem_shared>>)
        tpu.yield
      }) : () -> ()
      %add3A_102 = arith.constant 2 : i32
      %add3A_103 = arith.addi %mul3A_80, %add3A_102 : i32
      %dma_start3A_104 = arith.constant 0 : i32
      %dma_start3A_105 = tpu.memref_slice %arg5[%add3A, %add3A_103, %dma_start3A_104] : memref<32x79x128xi32, #tpu.memory_space<hbm>> -> memref<1x1x128xi32, #tpu.memory_space<hbm>>
      %dma_start3A_106 = tpu.memref_squeeze %dma_start3A_105 : memref<1x1x128xi32, #tpu.memory_space<hbm>> -> memref<1x128xi32, #tpu.memory_space<hbm>>
      %dma_start3A_107 = arith.constant 0 : i32
      %dma_start3A_108 = tpu.memref_slice %arg5[%add3A, %add3A_103, %dma_start3A_107] : memref<32x79x128xi32, #tpu.memory_space<hbm>> -> memref<1x1x128xi32, #tpu.memory_space<hbm>>
      %dma_start3A_109 = tpu.memref_squeeze %dma_start3A_108 : memref<1x1x128xi32, #tpu.memory_space<hbm>> -> memref<1x128xi32, #tpu.memory_space<hbm>>
      tpu.enqueue_dma source(%dma_start3A_109 : memref<1x128xi32, #tpu.memory_space<hbm>>) target(%arg8 : memref<1x128xi32, #tpu.memory_space<vmem>>) target_semaphore(%arg14 : memref<!tpu.dma_semaphore, #tpu.memory_space<semaphore_mem>>)
      %dma_wait3A_110 = arith.constant 0 : i32
      %dma_wait3A_111 = tpu.memref_slice %arg7[%add3A_82, %dma_wait3A_110] : memref<79x128xi32, #tpu.memory_space<vmem>> -> memref<1x128xi32, #tpu.memory_space<vmem>>
      %dma_wait3A_112 = tpu.memref_squeeze %dma_wait3A_111 : memref<1x128xi32, #tpu.memory_space<vmem>> -> memref<128xi32, #tpu.memory_space<vmem>>
      %dma_wait3A_113 = arith.constant 0 : i32
      %dma_wait3A_114 = arith.constant 0 : i32
      %dma_wait3A_115 = tpu.memref_slice %arg2[%dma_wait3A_113, %dma_wait3A_114] : memref<10240x128xf32, #tpu.memory_space<hbm>> -> memref<10240x128xf32, #tpu.memory_space<hbm>>
      tpu.wait_indirect_dma semaphore(%arg13 : memref<!tpu.dma_semaphore, #tpu.memory_space<semaphore_mem>>) src(%dma_wait3A_115 : memref<10240x128xf32, #tpu.memory_space<hbm>>) dst(%arg11 : memref<128x128xf32, #tpu.memory_space<vmem>>)
      %add3A_116 = arith.constant 2 : i32
      %add3A_117 = arith.addi %mul3A_80, %add3A_116 : i32
      %dma_start3A_118 = arith.constant 0 : i32
      %dma_start3A_119 = tpu.memref_slice %arg7[%add3A_117, %dma_start3A_118] : memref<79x128xi32, #tpu.memory_space<vmem>> -> memref<1x128xi32, #tpu.memory_space<vmem>>
      %dma_start3A_120 = tpu.memref_squeeze %dma_start3A_119 : memref<1x128xi32, #tpu.memory_space<vmem>> -> memref<128xi32, #tpu.memory_space<vmem>>
      %dma_start3A_121 = arith.constant 0 : i32
      %dma_start3A_122 = arith.constant 0 : i32
      %dma_start3A_123 = tpu.memref_slice %arg2[%dma_start3A_121, %dma_start3A_122] : memref<10240x128xf32, #tpu.memory_space<hbm>> -> memref<10240x128xf32, #tpu.memory_space<hbm>>
      tpu.enqueue_indirect_dma source(%dma_start3A_123 : memref<10240x128xf32, #tpu.memory_space<hbm>>) target(%arg10 : memref<128x128xf32, #tpu.memory_space<vmem>>) offsets(%dma_start3A_120 : memref<128xi32, #tpu.memory_space<vmem>>) semaphore(%arg13 : memref<!tpu.dma_semaphore, #tpu.memory_space<semaphore_mem>>)
      %dma_wait3A_124 = arith.constant 0 : i32
      %dma_wait3A_125 = tpu.memref_slice %arg5[%add3A, %add3A_82, %dma_wait3A_124] : memref<32x79x128xi32, #tpu.memory_space<hbm>> -> memref<1x1x128xi32, #tpu.memory_space<hbm>>
      %dma_wait3A_126 = tpu.memref_squeeze %dma_wait3A_125 : memref<1x1x128xi32, #tpu.memory_space<hbm>> -> memref<1x128xi32, #tpu.memory_space<hbm>>
      %dma_wait3A_127 = arith.constant 0 : i32
      %dma_wait3A_128 = tpu.memref_slice %arg5[%add3A, %add3A_82, %dma_wait3A_127] : memref<32x79x128xi32, #tpu.memory_space<hbm>> -> memref<1x1x128xi32, #tpu.memory_space<hbm>>
      %dma_wait3A_129 = tpu.memref_squeeze %dma_wait3A_128 : memref<1x1x128xi32, #tpu.memory_space<hbm>> -> memref<1x128xi32, #tpu.memory_space<hbm>>
      tpu.wait_dma2 semaphore(%arg15 : memref<!tpu.dma_semaphore, #tpu.memory_space<semaphore_mem>>) src(%dma_wait3A_129 : memref<1x128xi32, #tpu.memory_space<hbm>>) dst(%arg9 : memref<1x128xi32, #tpu.memory_space<vmem>>)
      %run_scoped3A_130 = arith.constant 0 : i32
      "tpu.region"() ({
        %run_scoped3A_136 = tpu.sem_alloc : memref<!tpu.dma_semaphore, #tpu.memory_space<semaphore_mem>>
        %dma_start3A_137 = arith.constant 0 : i32
        %dma_start3A_138 = tpu.memref_slice %arg9[%run_scoped3A_130, %dma_start3A_137] : memref<1x128xi32, #tpu.memory_space<vmem>> -> memref<1x128xi32, #tpu.memory_space<vmem>>
        %dma_start3A_139 = tpu.memref_squeeze %dma_start3A_138 : memref<1x128xi32, #tpu.memory_space<vmem>> -> memref<128xi32, #tpu.memory_space<vmem>>
        %dma_start3A_140 = arith.constant 0 : i32
        %dma_start3A_141 = arith.constant 0 : i32
        %dma_start3A_142 = tpu.memref_slice %arg12[%dma_start3A_140, %dma_start3A_141] : memref<10240x128xf32, #tpu.memory_space<vmem_shared>> -> memref<10240x128xf32, #tpu.memory_space<vmem_shared>>
        tpu.enqueue_indirect_dma source(%arg11 : memref<128x128xf32, #tpu.memory_space<vmem>>) target(%dma_start3A_142 : memref<10240x128xf32, #tpu.memory_space<vmem_shared>>) offsets(%dma_start3A_139 : memref<128xi32, #tpu.memory_space<vmem>>) semaphore(%run_scoped3A_136 : memref<!tpu.dma_semaphore, #tpu.memory_space<semaphore_mem>>) {add = true}
        %dma_wait3A_143 = arith.constant 0 : i32
        %dma_wait3A_144 = tpu.memref_slice %arg9[%run_scoped3A_130, %dma_wait3A_143] : memref<1x128xi32, #tpu.memory_space<vmem>> -> memref<1x128xi32, #tpu.memory_space<vmem>>
        %dma_wait3A_145 = tpu.memref_squeeze %dma_wait3A_144 : memref<1x128xi32, #tpu.memory_space<vmem>> -> memref<128xi32, #tpu.memory_space<vmem>>
        %dma_wait3A_146 = arith.constant 0 : i32
        %dma_wait3A_147 = arith.constant 0 : i32
        %dma_wait3A_148 = tpu.memref_slice %arg12[%dma_wait3A_146, %dma_wait3A_147] : memref<10240x128xf32, #tpu.memory_space<vmem_shared>> -> memref<10240x128xf32, #tpu.memory_space<vmem_shared>>
        tpu.wait_indirect_dma semaphore(%run_scoped3A_136 : memref<!tpu.dma_semaphore, #tpu.memory_space<semaphore_mem>>) src(%arg11 : memref<128x128xf32, #tpu.memory_space<vmem>>) dst(%dma_wait3A_148 : memref<10240x128xf32, #tpu.memory_space<vmem_shared>>)
        tpu.yield
      }) : () -> ()
      %add3A_131 = arith.constant 2 : i32
      %add3A_132 = arith.addi %add3A_82, %add3A_131 : i32
      %lt3A = arith.cmpi slt, %add3A_132, %select_n3A_3 : i32
      %convert_element_type3A_133 = arith.extui %lt3A : i1 to i32
      %cond3A_134 = arith.constant 0 : i32
      %cond3A_135 = arith.cmpi ne, %convert_element_type3A_133, %cond3A_134 : i32
      scf.if %cond3A_135 {
        %add3A_136 = arith.constant 2 : i32
        %add3A_137 = arith.addi %add3A_82, %add3A_136 : i32
        %dma_start3A_138 = arith.constant 0 : i32
        %dma_start3A_139 = tpu.memref_slice %arg5[%add3A, %add3A_137, %dma_start3A_138] : memref<32x79x128xi32, #tpu.memory_space<hbm>> -> memref<1x1x128xi32, #tpu.memory_space<hbm>>
        %dma_start3A_140 = tpu.memref_squeeze %dma_start3A_139 : memref<1x1x128xi32, #tpu.memory_space<hbm>> -> memref<1x128xi32, #tpu.memory_space<hbm>>
        %dma_start3A_141 = arith.constant 0 : i32
        %dma_start3A_142 = tpu.memref_slice %arg5[%add3A, %add3A_137, %dma_start3A_141] : memref<32x79x128xi32, #tpu.memory_space<hbm>> -> memref<1x1x128xi32, #tpu.memory_space<hbm>>
        %dma_start3A_143 = tpu.memref_squeeze %dma_start3A_142 : memref<1x1x128xi32, #tpu.memory_space<hbm>> -> memref<1x128xi32, #tpu.memory_space<hbm>>
        tpu.enqueue_dma source(%dma_start3A_143 : memref<1x128xi32, #tpu.memory_space<hbm>>) target(%arg9 : memref<1x128xi32, #tpu.memory_space<vmem>>) target_semaphore(%arg15 : memref<!tpu.dma_semaphore, #tpu.memory_space<semaphore_mem>>)
      } else {
      }
    }
    %sub3A_62 = arith.constant 1 : i32
    %sub3A_63 = arith.subi %select_n3A_3, %sub3A_62 : i32
    %dma_wait3A = arith.constant 0 : i32
    %dma_wait3A_64 = tpu.memref_slice %arg7[%sub3A_63, %dma_wait3A] : memref<79x128xi32, #tpu.memory_space<vmem>> -> memref<1x128xi32, #tpu.memory_space<vmem>>
    %dma_wait3A_65 = tpu.memref_squeeze %dma_wait3A_64 : memref<1x128xi32, #tpu.memory_space<vmem>> -> memref<128xi32, #tpu.memory_space<vmem>>
    %dma_wait3A_66 = arith.constant 0 : i32
    %dma_wait3A_67 = arith.constant 0 : i32
    %dma_wait3A_68 = tpu.memref_slice %arg2[%dma_wait3A_66, %dma_wait3A_67] : memref<10240x128xf32, #tpu.memory_space<hbm>> -> memref<10240x128xf32, #tpu.memory_space<hbm>>
    tpu.wait_indirect_dma semaphore(%arg13 : memref<!tpu.dma_semaphore, #tpu.memory_space<semaphore_mem>>) src(%dma_wait3A_68 : memref<10240x128xf32, #tpu.memory_space<hbm>>) dst(%arg10 : memref<128x128xf32, #tpu.memory_space<vmem>>)
    %sub3A_69 = arith.constant 1 : i32
    %sub3A_70 = arith.subi %select_n3A_3, %sub3A_69 : i32
    %dma_wait3A_71 = arith.constant 0 : i32
    %dma_wait3A_72 = tpu.memref_slice %arg5[%add3A, %sub3A_70, %dma_wait3A_71] : memref<32x79x128xi32, #tpu.memory_space<hbm>> -> memref<1x1x128xi32, #tpu.memory_space<hbm>>
    %dma_wait3A_73 = tpu.memref_squeeze %dma_wait3A_72 : memref<1x1x128xi32, #tpu.memory_space<hbm>> -> memref<1x128xi32, #tpu.memory_space<hbm>>
    %dma_wait3A_74 = arith.constant 0 : i32
    %dma_wait3A_75 = tpu.memref_slice %arg5[%add3A, %sub3A_70, %dma_wait3A_74] : memref<32x79x128xi32, #tpu.memory_space<hbm>> -> memref<1x1x128xi32, #tpu.memory_space<hbm>>
    %dma_wait3A_76 = tpu.memref_squeeze %dma_wait3A_75 : memref<1x1x128xi32, #tpu.memory_space<hbm>> -> memref<1x128xi32, #tpu.memory_space<hbm>>
    tpu.wait_dma2 semaphore(%arg14 : memref<!tpu.dma_semaphore, #tpu.memory_space<semaphore_mem>>) src(%dma_wait3A_76 : memref<1x128xi32, #tpu.memory_space<hbm>>) dst(%arg8 : memref<1x128xi32, #tpu.memory_space<vmem>>)
    %run_scoped3A = arith.constant 0 : i32
    "tpu.region"() ({
      %run_scoped3A_78 = tpu.sem_alloc : memref<!tpu.dma_semaphore, #tpu.memory_space<semaphore_mem>>
      %dma_start3A_79 = arith.constant 0 : i32
      %dma_start3A_80 = tpu.memref_slice %arg8[%run_scoped3A, %dma_start3A_79] : memref<1x128xi32, #tpu.memory_space<vmem>> -> memref<1x128xi32, #tpu.memory_space<vmem>>
      %dma_start3A_81 = tpu.memref_squeeze %dma_start3A_80 : memref<1x128xi32, #tpu.memory_space<vmem>> -> memref<128xi32, #tpu.memory_space<vmem>>
      %dma_start3A_82 = arith.constant 0 : i32
      %dma_start3A_83 = arith.constant 0 : i32
      %dma_start3A_84 = tpu.memref_slice %arg12[%dma_start3A_82, %dma_start3A_83] : memref<10240x128xf32, #tpu.memory_space<vmem_shared>> -> memref<10240x128xf32, #tpu.memory_space<vmem_shared>>
      tpu.enqueue_indirect_dma source(%arg10 : memref<128x128xf32, #tpu.memory_space<vmem>>) target(%dma_start3A_84 : memref<10240x128xf32, #tpu.memory_space<vmem_shared>>) offsets(%dma_start3A_81 : memref<128xi32, #tpu.memory_space<vmem>>) semaphore(%run_scoped3A_78 : memref<!tpu.dma_semaphore, #tpu.memory_space<semaphore_mem>>) {add = true}
      %dma_wait3A_85 = arith.constant 0 : i32
      %dma_wait3A_86 = tpu.memref_slice %arg8[%run_scoped3A, %dma_wait3A_85] : memref<1x128xi32, #tpu.memory_space<vmem>> -> memref<1x128xi32, #tpu.memory_space<vmem>>
      %dma_wait3A_87 = tpu.memref_squeeze %dma_wait3A_86 : memref<1x128xi32, #tpu.memory_space<vmem>> -> memref<128xi32, #tpu.memory_space<vmem>>
      %dma_wait3A_88 = arith.constant 0 : i32
      %dma_wait3A_89 = arith.constant 0 : i32
      %dma_wait3A_90 = tpu.memref_slice %arg12[%dma_wait3A_88, %dma_wait3A_89] : memref<10240x128xf32, #tpu.memory_space<vmem_shared>> -> memref<10240x128xf32, #tpu.memory_space<vmem_shared>>
      tpu.wait_indirect_dma semaphore(%run_scoped3A_78 : memref<!tpu.dma_semaphore, #tpu.memory_space<semaphore_mem>>) src(%arg10 : memref<128x128xf32, #tpu.memory_space<vmem>>) dst(%dma_wait3A_90 : memref<10240x128xf32, #tpu.memory_space<vmem_shared>>)
      tpu.yield
    }) : () -> ()
    %barrier3A_77 = arith.constant 0 : index
    tpu.barrier barrier_id(%barrier3A_77)
    "tpu.region"() ({
      %run_scoped3A_78 = tpu.sem_alloc : memref<!tpu.dma_semaphore, #tpu.memory_space<semaphore_mem>>
      %dma_start3A_79 = arith.constant 0 : i32
      %dma_start3A_80 = tpu.memref_slice %arg6[%arg0, %mul3A_5, %dma_start3A_79] : memref<2x10240x128xf32, #tpu.memory_space<hbm>> -> memref<1x640x128xf32, #tpu.memory_space<hbm>>
      %dma_start3A_81 = tpu.memref_squeeze %dma_start3A_80 : memref<1x640x128xf32, #tpu.memory_space<hbm>> -> memref<640x128xf32, #tpu.memory_space<hbm>>
      %dma_start3A_82 = arith.constant 0 : i32
      %dma_start3A_83 = tpu.memref_slice %arg12[%mul3A_5, %dma_start3A_82] : memref<10240x128xf32, #tpu.memory_space<vmem_shared>> -> memref<640x128xf32, #tpu.memory_space<vmem_shared>>
      tpu.enqueue_dma source(%dma_start3A_83 : memref<640x128xf32, #tpu.memory_space<vmem_shared>>) target(%dma_start3A_81 : memref<640x128xf32, #tpu.memory_space<hbm>>) target_semaphore(%run_scoped3A_78 : memref<!tpu.dma_semaphore, #tpu.memory_space<semaphore_mem>>)
      %dma_wait3A_84 = arith.constant 0 : i32
      %dma_wait3A_85 = tpu.memref_slice %arg6[%arg0, %mul3A_5, %dma_wait3A_84] : memref<2x10240x128xf32, #tpu.memory_space<hbm>> -> memref<1x640x128xf32, #tpu.memory_space<hbm>>
      %dma_wait3A_86 = tpu.memref_squeeze %dma_wait3A_85 : memref<1x640x128xf32, #tpu.memory_space<hbm>> -> memref<640x128xf32, #tpu.memory_space<hbm>>
      %dma_wait3A_87 = arith.constant 0 : i32
      %dma_wait3A_88 = tpu.memref_slice %arg12[%mul3A_5, %dma_wait3A_87] : memref<10240x128xf32, #tpu.memory_space<vmem_shared>> -> memref<640x128xf32, #tpu.memory_space<vmem_shared>>
      tpu.wait_dma2 semaphore(%run_scoped3A_78 : memref<!tpu.dma_semaphore, #tpu.memory_space<semaphore_mem>>) src(%dma_wait3A_88 : memref<640x128xf32, #tpu.memory_space<vmem_shared>>) dst(%dma_wait3A_86 : memref<640x128xf32, #tpu.memory_space<hbm>>)
      tpu.yield
    }) : () -> ()
    return
  }
}

module attributes {stable_mosaic.version = 14 : i64} {
  func.func @_matmul_body(%arg0: i32, %arg1: memref<1280x128xf32, #tpu.memory_space<vmem>>, %arg2: memref<128x128xf32, #tpu.memory_space<vmem>>, %arg3: memref<1x128xf32, #tpu.memory_space<vmem>>, %arg4: memref<1280x128xf32, #tpu.memory_space<vmem>>) attributes {dimension_semantics = [#tpu.dimension_semantics<arbitrary>], iteration_bounds = array<i64: 8>, scalar_prefetch = 0 : i64, scratch_operands = 0 : i64, tpu.core_type = #tpu.core_type<tc>, window_params = [{transform_indices = @transform_0, window_bounds = array<i64: 1280, 128>}, {pipeline_mode = #tpu.pipeline_mode<synchronous>, transform_indices = @transform_1, window_bounds = array<i64: 128, 128>}, {pipeline_mode = #tpu.pipeline_mode<synchronous>, transform_indices = @transform_2, window_bounds = array<i64: 1, 128>}, {transform_indices = @transform_3, window_bounds = array<i64: 1280, 128>}]} {
    %get3A = arith.constant 0 : index
    %get3A_0 = arith.constant 0 : index
    %get3A_1 = vector.load %arg1[%get3A, %get3A_0] : memref<1280x128xf32, #tpu.memory_space<vmem>>, vector<1280x128xf32>
    %get3A_2 = arith.constant 0 : index
    %get3A_3 = arith.constant 0 : index
    %get3A_4 = vector.load %arg2[%get3A_2, %get3A_3] : memref<128x128xf32, #tpu.memory_space<vmem>>, vector<128x128xf32>
    %dot_general3A = arith.constant dense<0.000000e+00> : vector<1280x128xf32>
    %dot_general3A_5 = tpu.matmul %get3A_1, %get3A_4, %dot_general3A {dimension_numbers = #tpu.dot_dimension_numbers<[1], [1], [0], [0], [0, 0, 1, 0], [], []>, transpose_lhs_hint = false} : vector<1280x128xf32>, vector<128x128xf32>, vector<1280x128xf32> -> vector<1280x128xf32>
    %get3A_6 = arith.constant 0 : index
    %get3A_7 = arith.constant 0 : index
    %get3A_8 = vector.load %arg3[%get3A_6, %get3A_7] : memref<1x128xf32, #tpu.memory_space<vmem>>, vector<1x128xf32>
    %add3A = vector.broadcast %get3A_8 : vector<1x128xf32> to vector<1280x128xf32>
    %add3A_9 = arith.addf %dot_general3A_5, %add3A : vector<1280x128xf32>
    %swap3A = arith.constant 0 : index
    %swap3A_10 = arith.constant 0 : index
    %swap3A_11 = vector.load %arg4[%swap3A, %swap3A_10] : memref<1280x128xf32, #tpu.memory_space<vmem>>, vector<1280x128xf32>
    tpu.vector_store %arg4[%swap3A, %swap3A_10], %add3A_9 {strides = array<i32>} : memref<1280x128xf32, #tpu.memory_space<vmem>>, vector<1280x128xf32>,
    return
  }
  func.func @transform_0(%arg0: i32) -> (i32, i32) {
    %c0_i32 = arith.constant 0 : i32
    %c0_i32_0 = arith.constant 0 : i32
    return %arg0, %c0_i32 : i32, i32
  }
  func.func @transform_1(%arg0: i32) -> (i32, i32) {
    %c0_i32 = arith.constant 0 : i32
    %c0_i32_0 = arith.constant 0 : i32
    %c0_i32_1 = arith.constant 0 : i32
    return %c0_i32, %c0_i32_0 : i32, i32
  }
  func.func @transform_2(%arg0: i32) -> (i32, i32) {
    %c0_i32 = arith.constant 0 : i32
    %c0_i32_0 = arith.constant 0 : i32
    %c0_i32_1 = arith.constant 0 : i32
    return %c0_i32, %c0_i32_0 : i32, i32
  }
  func.func @transform_3(%arg0: i32) -> (i32, i32) {
    %c0_i32 = arith.constant 0 : i32
    %c0_i32_0 = arith.constant 0 : i32
    return %arg0, %c0_i32 : i32, i32
  }
}

module attributes {stable_mosaic.version = 14 : i64} {
  func.func @_combine_body(%arg0: i32, %arg1: memref<2000x128xf32, #tpu.memory_space<vmem>>, %arg2: memref<2000x128xf32, #tpu.memory_space<vmem>>, %arg3: memref<2000x128xf32, #tpu.memory_space<vmem>>) attributes {dimension_semantics = [#tpu.dimension_semantics<arbitrary>], iteration_bounds = array<i64: 5>, scalar_prefetch = 0 : i64, scratch_operands = 0 : i64, tpu.core_type = #tpu.core_type<tc>, window_params = [{transform_indices = @transform_0, window_bounds = array<i64: 2000, 128>}, {transform_indices = @transform_1, window_bounds = array<i64: 2000, 128>}, {transform_indices = @transform_2, window_bounds = array<i64: 2000, 128>}]} {
    %get3A = arith.constant 0 : index
    %get3A_0 = arith.constant 0 : index
    %get3A_1 = vector.load %arg1[%get3A, %get3A_0] : memref<2000x128xf32, #tpu.memory_space<vmem>>, vector<2000x128xf32>
    %get3A_2 = arith.constant 0 : index
    %get3A_3 = arith.constant 0 : index
    %get3A_4 = vector.load %arg2[%get3A_2, %get3A_3] : memref<2000x128xf32, #tpu.memory_space<vmem>>, vector<2000x128xf32>
    %add3A = arith.addf %get3A_1, %get3A_4 : vector<2000x128xf32>
    %swap3A = arith.constant 0 : index
    %swap3A_5 = arith.constant 0 : index
    %swap3A_6 = vector.load %arg3[%swap3A, %swap3A_5] : memref<2000x128xf32, #tpu.memory_space<vmem>>, vector<2000x128xf32>
    tpu.vector_store %arg3[%swap3A, %swap3A_5], %add3A {strides = array<i32>} : memref<2000x128xf32, #tpu.memory_space<vmem>>, vector<2000x128xf32>,
    return
  }
  func.func @transform_0(%arg0: i32) -> (i32, i32) {
    %c0_i32 = arith.constant 0 : i32
    %c0_i32_0 = arith.constant 0 : i32
    return %arg0, %c0_i32 : i32, i32
  }
  func.func @transform_1(%arg0: i32) -> (i32, i32) {
    %c0_i32 = arith.constant 0 : i32
    %c0_i32_0 = arith.constant 0 : i32
    return %arg0, %c0_i32 : i32, i32
  }
  func.func @transform_2(%arg0: i32) -> (i32, i32) {
    %c0_i32 = arith.constant 0 : i32
    %c0_i32_0 = arith.constant 0 : i32
    return %arg0, %c0_i32 : i32, i32
  }
}

</mosaic_0001>

<sc_bundles>
// kernel: kernel.5.cloned.1.call-start
scs
__scs_entry_jumppad:
0x0: {  	(pc) =	sbr.rel $0x88, $3  }
0x1: {  	(tag) =	ssettag $0x0;
	lr =	simm.s32 $0x1  }
0x2: {  	[smem:$0x3F9D] =	sst lr;
	_ =	strace $0xD0000000  }
0x3: {  	_ = 	snop  }
0x4: {  	_ = 	snop  }
0x5: {  	_ = 	snop  }
0x6: {  	_ = 	snop  }
0x7: {  	_ = 	snop  }
__scs_overlays_trampoline_lowered:
0x8: {  	[smem:$0x3FAC] =	sst s0  }
0x9: {  	[smem:$0x3FAD] =	sst s1  }
0xa: {  	[smem:$0x3FAE] =	sst s2  }
0xb: {  	[smem:$0x3FAF] =	sst s3  }
0xc: {  	[smem:$0x3FB0] =	sst s4  }
0xd: {  	[smem:$0x3FB1] =	sst s5  }
0xe: {  	[smem:$0x3FB2] =	sst s6  }
0xf: {  	[smem:$0x3FB3] =	sst s7  }
0x10: {  	[smem:$0x3FB4] =	sst s8  }
0x11: {  	[smem:$0x3FB5] =	sst s9;
	s0 =	simm.s32 @!p0 $0x0  }
0x12: {  	s1 =	sld [smem:$0x3F9B];
	s0 =	simm.s32 @p0 $0x1  }
0x13: {  	[smem:$0x3FB6] =	sst s0;
	s0 =	simm.s32 @!p1 $0x0  }
0x14: {  	s2 =	sld [smem:$0x3F9A];
	s0 =	simm.s32 @p1 $0x1  }
0x15: {  	[smem:$0x3FB7] =	sst s0;
	s0 =	simm.s32 @!p2 $0x0  }
0x16: {  	s3 =	sld [smem:$0x3FDB];
	s0 =	simm.s32 @p2 $0x1  }
0x17: {  	s4 =	simm.s32 $0x1BF5;
	[smem:$0x3FB9] =	sst s0  }
0x18: {  	s0 =	sld [smem:$0x3F9C];
	_ =	swait.ge [sflag:s4], $0x0  }
0x19: {  	s7 =	sld [smem:$0x3F9D]  }
0x1a: {  	s8 =	sadd.s32 $0xFFFFE003, lr  }
0x1b: {  	s9 =	sadd.s32 $0xFFFFFEF7, lr;
	s5 =	simm.s32 $0xFFFFFFFF;
	p2 =	slt.u32 s8, $0xFFFFF086  }
0x1c: {  	p1 =	slt.u32 s9, $0xF7A;
	s5 =	simm.s32 @!p2 $0x0  }
0x1d: {  	s5 =	simm.s32 @p1 $0x1;
	p0 =	seq.s32 s7, s2  }
0x1e: {  	s7 =	smul.u32 @!p0 $0xF7A, s2;
	p2 =	seq.s32 @!p0 s5, $0x0  }
0x1f: {  	s9 =	smul.u32 $0xF7A, s1;
	s8 =	simm.s32 @!p0 $0x1BF5;
	p2 =	por !p2, p0  }
0x20: {  	[sflag:s8] =	ssyncset.s32 @!p0 $0xFFFFF086;
	s6 =	sadd.s32 @!p0 s3, s7;
	s7 =	simm.s32 @!p0 $0x108  }
0x21: {  	s3 =	sadd.s32 s3, s9;
	s6 =	sadd.s32 @!p0 $0x88, s6;
	s7 =	simm.s32 @p2 $0x1082  }
0x22: {  	[simem:s7], [sflag:s8] =	dma.local @!p0 [hbm:s6], $0xF7A  }
0x23: {  	s9 =	sor.u32 $0xD0000000, s2;
	s6 =	simm.s32 $0x108;
	_ =	swait.ge @!p0 [sflag:s8], $0x0  }
0x24: {  	s3 =	sadd.s32 $0x88, s3;
	s6 =	simm.s32 @!p1 $0x1082;
	[sflag:s4] =	ssyncset.s32 $0xFFFFF086  }
0x25: {  	[simem:s6], [sflag:s4] =	dma.local [hbm:s3], $0xF7A  }
0x26: {  	[smem:$0x3F9D] =	sst s1;
	(tag) =	ssettag s2;
	_ =	strace s9  }
0x27: {  	s1 =	sld [smem:$0x3FAD]  }
0x28: {  	s2 =	sld [smem:$0x3FAE]  }
0x29: {  	s4 =	sld [smem:$0x3FB0]  }
0x2a: {  	p0 =	seq.s32 s5, $0x0;
	s5 =	sld [smem:$0x3FB1]  }
0x2b: {  	s6 =	sld [smem:$0x3FB2]  }
0x2c: {  	s7 =	sld [smem:$0x3FB3]  }
0x2d: {  	s3 =	simm.s32 $0x108;
	s8 =	sld [smem:$0x3FB4]  }
0x2e: {  	s3 =	simm.s32 @!p0 $0x1082;
	s9 =	sld [smem:$0x3FB5]  }
0x2f: {  	lr =	sadd.s32 s0, s3;
	s0 =	sld [smem:$0x3FAC]  }
0x30: {  	s3 =	sld [smem:$0x3FAF]  }
0x31: {  	[smem:$0x3FB8] =	sst s10  }
0x32: {  	s10 =	sld [smem:$0x3FB6];
	_ =	sdelay $0x3  }
0x33: {  	p0 =	seq.s32 s10, $0x1;
	s10 =	sld [smem:$0x3FB8];
	_ =	sdelay $0x3  }
0x34: {  	[smem:$0x3FB8] =	sst s10  }
0x35: {  	s10 =	sld [smem:$0x3FB7];
	_ =	sdelay $0x3  }
0x36: {  	p1 =	seq.s32 s10, $0x1;
	s10 =	sld [smem:$0x3FB8];
	_ =	sdelay $0x3  }
0x37: {  	[smem:$0x3FB8] =	sst s10  }
0x38: {  	s10 =	sld [smem:$0x3FB9]  }
0x39: {  	_ = 	snop;
	(pc) =	sbr.ind lr, $3  }
0x3a: {  	_ = 	snop  }
0x3b: {  	_ = 	snop  }
0x3c: {  	p2 =	seq.s32 s10, $0x1;
	s10 =	sld [smem:$0x3FB8]  }
0x3d: {  	_ =	shalt  }
0x3e: {  	_ =	shalt  }
0x3f: {  	_ =	shalt  }
0x40: {  	_ =	shalt  }
0x41: {  	_ =	shalt  }
0x42: {  	_ =	shalt  }
0x43: {  	_ =	shalt  }
0x44: {  	_ =	shalt  }
0x45: {  	_ =	shalt  }
0x46: {  	_ =	shalt  }
0x47: {  	_ =	shalt  }
0x48: {  	_ =	shalt  }
0x49: {  	_ =	shalt  }
0x4a: {  	_ =	shalt  }
0x4b: {  	_ =	shalt  }
0x4c: {  	_ =	shalt  }
0x4d: {  	_ =	shalt  }
0x4e: {  	_ =	shalt  }
0x4f: {  	_ =	shalt  }
0x50: {  	_ =	shalt  }
0x51: {  	_ =	shalt  }
0x52: {  	_ =	shalt  }
0x53: {  	_ =	shalt  }
0x54: {  	_ =	shalt  }
0x55: {  	_ =	shalt  }
0x56: {  	_ =	shalt  }
0x57: {  	_ =	shalt  }
0x58: {  	_ =	shalt  }
0x59: {  	_ =	shalt  }
0x5a: {  	_ =	shalt  }
0x5b: {  	_ =	shalt  }
0x5c: {  	_ =	shalt  }
0x5d: {  	_ =	shalt  }
0x5e: {  	_ =	shalt  }
0x5f: {  	_ =	shalt  }
0x60: {  	_ =	shalt  }
0x61: {  	_ =	shalt  }
0x62: {  	_ =	shalt  }
0x63: {  	_ =	shalt  }
0x64: {  	_ =	shalt  }
0x65: {  	_ =	shalt  }
0x66: {  	_ =	shalt  }
0x67: {  	_ =	shalt  }
0x68: {  	_ =	shalt  }
0x69: {  	_ =	shalt  }
0x6a: {  	_ =	shalt  }
0x6b: {  	_ =	shalt  }
0x6c: {  	_ =	shalt  }
0x6d: {  	_ =	shalt  }
0x6e: {  	_ =	shalt  }
0x6f: {  	_ =	shalt  }
0x70: {  	_ =	shalt  }
0x71: {  	_ =	shalt  }
0x72: {  	_ =	shalt  }
0x73: {  	_ =	shalt  }
0x74: {  	_ =	shalt  }
0x75: {  	_ =	shalt  }
0x76: {  	_ =	shalt  }
0x77: {  	_ =	shalt  }
0x78: {  	_ =	shalt  }
0x79: {  	_ =	shalt  }
0x7a: {  	_ =	shalt  }
0x7b: {  	_ =	shalt  }
0x7c: {  	_ =	shalt  }
0x7d: {  	_ =	shalt  }
0x7e: {  	_ =	shalt  }
0x7f: {  	_ =	shalt  }
0x80: {  	_ =	shalt  }
0x81: {  	_ =	shalt  }
0x82: {  	_ =	shalt  }
0x83: {  	_ =	shalt  }
0x84: {  	_ =	shalt  }
0x85: {  	_ =	shalt  }
0x86: {  	_ =	shalt  }
0x87: {  	_ =	shalt  }
.Lfunc_end0:
.L_simem_size_0:
called_computation_lowered:
.L_overlay_start_0:
0x88: {  	s2 =	sld [smem:$0x3FD9]  }
0x89: {  	s3 =	sld [smem:$0x3FFE];
	_ =	sdelay $0x1  }
0x8a: {  	s1 =	srdreg.scid  }
0x8b: {  	s0 =	sand.u32 $0x1, s1  }
0x8c: {  	s17 =	sshll.u32 s0, $0xA;
	s2 =	sadd.s32 s3, s2  }
0x8d: {  	s2 =	sadd.s32 s2, s17  }
0x8e: {  	[smem:$0x3FC4] =	sst s2  }
0x8f: {  	_ = 	snop  }
0x90: {  	s2 =	sld [smem:$0x3FD0];
	(tm) =	ssettm $0x1  }
0x91: {  	s18 =	sld [smem:$0x3FFB];
	_ =	sdelay $0x3  }
0x92: {  	_ =	strace s18  }
0x93: {  	s3 =	sld [smem:$0x3FFC];
	_ =	sdelay $0x3  }
0x94: {  	_ =	strace s3  }
0x95: {  	s3 =	sld [smem:$0x3FFD];
	_ =	sdelay $0x3  }
0x96: {  	_ =	strace s3  }
0x97: {  	_ =	strace $0x8FFFFFFF  }
0x98: {  	s19 =	sld [smem:$0x3FDB];
	_ =	sdelay $0x1  }
0x99: {  	s4 =	simm.s32 $_scs_section_size  }
0x9a: {  	s5 =	simm.s32 $_size__tile_overlayer_lowered;
	s6 =	simm.s32 $_tile_overlayer_lowered  }
0x9b: {  	s22 =	simm.s32 $0x1BFF;
	s21 =	sshll.u32 s6, $0x1;
	s3 =	sadd.s32 s4, s19  }
0x9c: {  	s7 =	simm.s32 $0x0;
	s20 =	sshll.u32 s5, $0x1;
	s5 =	sadd.s32 s21, s3  }
0x9d: {  	[timem:s7], [sflag:s22] =	dma.local [hbm:s5], s20  }
0x9e: {  	_ =	swait.ge [sflag:s22], s20  }
0x9f: {  	s4 =	ssub.s32 $0x0, s20;
	[sflag:s22] =	ssyncset.done $0x0  }
0xa0: {  	[sflag:s22] =	ssyncadd.s32 s4;
	_ =	sdelay $0x1  }
0xa1: {  	s23 =	simm.s32 $0x1B8B  }
0xa2: {  	_ =	swait.ge [sflag:s23], $0x1  }
0xa3: {  	[sflag:s23] =	ssyncset.done $0x0  }
0xa4: {  	s25 =	simm.s32 $0x1B8E;
	s24 =	sld [smem:$0x3FFE];
	[sflag:s23] =	ssyncadd.s32 $0xFFFFFFFF  }
0xa5: {  	s26 =	simm.s32 $execute0_lowered;
	[smem:$0x3FD2] =	sst s25  }
0xa6: {  	s5 =	sshll.u32 s26, $0x1;
	_ =	strace $0x80000046;
	[dreg:$0x1] =	wrdreg $0xFFFFFFFF  }
0xa7: {  	s28 =	simm.s32 $_size_execute0_lowered;
	s3 =	sadd.s32 s3, s5;
	[dreg:$0x0] =	wrdreg $0x0  }
0xa8: {  	s5 =	sshll.u32 s28, $0x1;
	[dreg:$0x2] =	wrdreg s3  }
0xa9: {  	[dreg:$0x3] =	wrdreg s5  }
0xaa: {  	[dreg:$0x4] =	wrdreg $0xC0  }
0xab: {  	_ =	task [dreg:s7], $0x5FFFF  }
0xac: {  	[dreg:$0x1] =	wrdreg $0xFFFFFFFF  }
0xad: {  	[dreg:$0x0] =	wrdreg $0x60  }
0xae: {  	[dreg:$0x2] =	wrdreg s24  }
0xaf: {  	[dreg:$0x3] =	wrdreg s2  }
0xb0: {  	[dreg:$0x4] =	wrdreg $0xA9000  }
0xb1: {  	[dreg:$0x5] =	wrdreg $0x9  }
0xb2: {  	_ =	task.clear_ibuf [dreg:s7], $0x6FFFF;
	_ =	strace $0x90000046  }
0xb3: {  	s29 =	simm.s32 $0x9;
	_ =	strace $0x80000048  }
0xb4: {  	_ =	swait.ge [sflag:s29], $0x1  }
0xb5: {  	[sflag:s29] =	ssyncadd.s32 $0xFFFFFFFF  }
0xb6: {  	_ =	strace $0x90000048  }
0xb7: {  	_ =	sfence  }
0xb8: {  	s30 =	sld [smem:$0x0];
	_ =	sdelay $0x2  }
0xb9: {  	s31 =	sshll.u32 s1, $0xD;
	s1 =	sshrl.u32 s1, $0x2  }
0xba: {  	s3 =	sand.u32 $0x4000, s31;
	s1 =	sadd.s32 s1, s30  }
0xbb: {  	s0 =	sor.u32 s3, s0;
	s1 =	sshll.u32 s1, $0x11  }
0xbc: {  	s0 =	sor.u32 s1, s0  }
0xbd: {  	s0 =	sadd.s32 $0x8F2B, s0  }
0xbe: {  	[sflag:s0] =	ssyncadd.remote.s32 $0x1  }
0xbf: {  	_ =	sfence.sel $0xFFFF  }
0xc0: {  	[dreg:$0x0] =	wrdreg $0xFFFFFFFF;
	(pc) =	sbr.abs _section_cstart, $3  }
0xc1: {  	[dreg:$0x1] =	wrdreg $0xFFFFFFFF  }
0xc2: {  	_ =	task.clear_ibuf [dreg:s7], $0x2FFFF;
	_ =	strace $0x9FFFFFFF  }
0xc3: {  	(tm) =	ssettm $0x7FFFFFFF  }
tec
execute0_lowered:
.L_overlay_start_1:
0x0: {  	(tag) =	ssettag $0x1  }
0x1: {  	s7 =	rddreg [dreg:$0x0]  }
0x2: {  	s8 =	rddreg [dreg:$0x1]  }
0x3: {  	s1 =	rddreg [dreg:$0x2];
	s2 =	simm.s32 $0x0  }
0x4: {  	s3 =	srdreg.scid;
	s0 =	stileid.u32;
	s17 =	simm.s32 $0x2800  }
0x5: {  	s18 =	simm.s32 $0x2900;
	s19 =	simm.s32 $0x2880;
	s20 =	simm.s32 $0x1  }
0x6: {  	s21 =	simm.s32 $0x80;
	s22 =	simm.s32 $0x6900;
	s23 =	simm.s32 $0x2  }
0x7: {  	s24 =	simm.s32 $0x3;
	s25 =	simm.s32 $0x2680;
	s28 =	simm.s32 $0x0  }
0x8: {  	[smem:$0x7FF] =	sst s2;
	s9 =	sand.u32 $0x1, s3;
	s10 =	smul.u32 $0x14000, s0  }
0x9: {  	s4 =	sadd.s32 $0xB000, s7;
	s11 =	sshll.u32 s0, $0x1;
	s14 =	smul.u32 $0x50000, s0  }
0xa: {  	s13 =	sadd.s32 $0x33000, s7;
	s5 =	sadd.s32 $0x1000, s7;
	s31 =	smul.u32 $0x2800, s0  }
0xb: {  	s15 =	sshll.u32 s0, $0x6;
	_ =	strace $0x80000047;
	s6 =	smul.u32 $0x140000, s9  }
0xc: {  	s11 =	sor.u32 s9, s11;
	s12 =	ssub.s32 $0x2, s9;
	p0 =	seq.s32 s9, $0x0  }
0xd: {  	s15 =	sor.u32 $0x1C04, s15;
	s26 =	sshrl.u32 s12, $0x1;
	s30 =	sshrl.u32 s14, $0x2  }
0xe: {  	s13 =	smov.u32 @p0 s4;
	s14 =	simm.s32 $0x4;
	s10 =	sadd.s32 s10, s6  }
0xf: {  	s6 =	smul.u32 $0x2800, s11;
	s11 =	ssub.s32 s12, s26;
	s16 =	sadd.s32 s30, s1  }
0x10: {  	s13 =	sadd.s32 s13, s31;
	s26 =	simm.s32 $0x2700;
	s10 =	sshrl.u32 s10, $0x3  }
0x11: {  	s11 =	smax.u32 s11, $0x1;
	s16 =	sshrl.u32 s16, $0x3;
	s29 =	sshrl.u32 s6, $0x3  }
0x12: {  	s10 =	sadd.s32 s10, s7;
	s7 =	sadd.s32 s8, s29;
	s8 =	sadd.s32 s5, s29  }
0x13: {  	s10 =	sadd.s32 $0x5B000, s10;
	s9 =	sadd.s32 $0x10, s8;
	s12 =	sadd.s32 $0x4E0, s8  }
.LBB2_1:
0x14: {  	[tilespmem:s2], [sflag:$0x4] =	stream.linear.gather [hbm4b:s7+s2], $0x2780, $0x38;
	[tilespmem:$0x1E900] =	vst v63  }
0x15: {  	_ =	swait.ge [sflag:s14], $0x2780  }
0x16: {  	[sflag:s14] =	ssyncset.done $0x0  }
0x17: {  	[sflag:s14] =	ssyncadd.s32 $0xFFFFD880  }
0x18: {  	[spmem:s16], [sflag:s15] =	dma.local [hbm:s13], $0x2800  }
0x19: {  	_ =	swait.ge [sflag:s14], $0x2800  }
0x1a: {  	[sflag:s14] =	ssyncset.done $0x0  }
0x1b: {  	[sflag:s14] =	ssyncadd.s32 $0xFFFFD800  }
0x1c: {  	[bflag:$0x0] =	sbarrier.arrive $0xFFFF  }
0x1d: {  	[tilespmem:s17], [sflag:$0x2] =	stream.linear.gather [hbm4b:s8+s2], $0x80, $0x38;
	[tilespmem:$0x1E900] =	vst v63  }
0x1e: {  	_ = 	snop  }
0x1f: {  	[tilespmem:s18], [sflag:$0x1] =	stream.indirect.gather [hbm4b:s4+s21], $0x80, s2, s21, $0xb8;
	[tilespmem:$0x1E900] =	vst v63  }
0x20: {  	_ = 	snop  }
0x21: {  	[tilespmem:s19], [sflag:$0x3] =	stream.linear.gather [hbm4b:s9+s2], $0x80, $0x38;
	[tilespmem:$0x1E900] =	vst v63  }
0x22: {  	_ =	swait.ge [sflag:s20], $0x4000  }
0x23: {  	[sflag:s20] =	ssyncset.done $0x0  }
0x24: {  	[sflag:s20] =	ssyncadd.s32 $0xFFFFC000  }
0x25: {  	[tilespmem:s22], [sflag:$0x1] =	stream.indirect.gather [hbm4b:s4+s21], $0x80, s21, s21, $0xb8;
	[tilespmem:$0x1E900] =	vst v63  }
0x26: {  	s29 =	simm.s32 $0x100;
	_ =	swait.ge [sflag:s23], $0x80  }
0x27: {  	s30 =	sand.u32 $0x7C00, s29;
	[sflag:s23] =	ssyncset.done $0x0  }
0x28: {  	s29 =	sand.u32 $0x300, s29;
	s30 =	sadd.s32 s6, s30;
	[sflag:s23] =	ssyncadd.s32 $0xFFFFFF80  }
0x29: {  	[spmem:s1] =	stream.indirect.scatter.add.f32 [tilespmem:s18], [sflag:$0x4], $0x80, s17, s21, $0xb8;
	[tilespmem:$0x1E900] =	vst v63  }
0x2a: {  	s29 =	sor.u32 s29, s30;
	_ =	swait.ge [sflag:s14], $0x4000  }
0x2b: {  	s29 =	sshrl.u32 s29, $0x3;
	[sflag:s14] =	ssyncset.done $0x0  }
0x2c: {  	s29 =	sadd.s32 s5, s29;
	[sflag:s14] =	ssyncadd.s32 $0xFFFFC000  }
0x2d: {  	[tilespmem:s17], [sflag:$0x2] =	stream.linear.gather [hbm4b:s29+s2], $0x80, $0x38;
	[tilespmem:$0x1E900] =	vst v63  }
0x2e: {  	_ =	swait.ge [sflag:s20], $0x4000  }
0x2f: {  	[sflag:s20] =	ssyncset.done $0x0  }
0x30: {  	s29 =	simm.s32 $0x100;
	[sflag:s20] =	ssyncadd.s32 $0xFFFFC000  }
0x31: {  	[tilespmem:s18], [sflag:$0x1] =	stream.indirect.gather [hbm4b:s4+s21], $0x80, s29, s21, $0xb8;
	[tilespmem:$0x1E900] =	vst v63  }
0x32: {  	s29 =	simm.s32 $0x180;
	_ =	swait.ge [sflag:s24], $0x80  }
0x33: {  	s30 =	sand.u32 $0x7C00, s29;
	[sflag:s24] =	ssyncset.done $0x0  }
0x34: {  	s31 =	sand.u32 $0x380, s29;
	s30 =	sadd.s32 s6, s30;
	[sflag:s24] =	ssyncadd.s32 $0xFFFFFF80  }
0x35: {  	[spmem:s1] =	stream.indirect.scatter.add.f32 [tilespmem:s22], [sflag:$0x4], $0x80, s19, s21, $0xb8;
	[tilespmem:$0x1E900] =	vst v63  }
0x36: {  	s29 =	simm.s32 $0x280;
	s30 =	sor.u32 s31, s30;
	_ =	swait.ge [sflag:s14], $0x4000  }
0x37: {  	s31 =	sshrl.u32 s30, $0x3;
	s30 =	simm.s32 $0x80;
	[sflag:s14] =	ssyncset.done $0x0  }
.LBB2_2:
0x38: {  	[sflag:s14] =	ssyncadd.s32 $0xFFFFC000  }
0x39: {  	s31 =	sadd.s32 s5, s31;
	s30 =	sadd.s32 $0x100, s30;
	s0 =	smov.u32 s29  }
0x3a: {  	[tilespmem:s19], [sflag:$0x3] =	stream.linear.gather [hbm4b:s31+s2], $0x80, $0x38;
	[tilespmem:$0x1E900] =	vst v63  }
0x3b: {  	p0 =	sne.s32 s29, $0x2680;
	s29 =	sadd.s32 $0x100, s29;
	_ =	swait.ge [sflag:s20], $0x4000  }
0x3c: {  	[sflag:s20] =	ssyncset.done $0x0  }
0x3d: {  	[sflag:s20] =	ssyncadd.s32 $0xFFFFC000  }
0x3e: {  	[tilespmem:s22], [sflag:$0x1] =	stream.indirect.gather [hbm4b:s4+s21], $0x80, s30, s21, $0xb8;
	[tilespmem:$0x1E900] =	vst v63  }
0x3f: {  	s31 =	sadd.s32 $0xFFFFFF80, s0;
	_ =	swait.ge [sflag:s23], $0x80  }
0x40: {  	s3 =	sand.u32 $0x7C00, s31;
	s31 =	sand.u32 $0x300, s31;
	[sflag:s23] =	ssyncset.done $0x0  }
0x41: {  	s3 =	sadd.s32 s6, s3;
	[sflag:s23] =	ssyncadd.s32 $0xFFFFFF80  }
0x42: {  	[spmem:s1] =	stream.indirect.scatter.add.f32 [tilespmem:s18], [sflag:$0x4], $0x80, s17, s21, $0xb8;
	[tilespmem:$0x1E900] =	vst v63  }
0x43: {  	s3 =	sor.u32 s31, s3;
	_ =	swait.ge [sflag:s14], $0x4000  }
0x44: {  	s3 =	sshrl.u32 s3, $0x3;
	[sflag:s14] =	ssyncset.done $0x0  }
0x45: {  	s3 =	sadd.s32 s5, s3;
	[sflag:s14] =	ssyncadd.s32 $0xFFFFC000  }
0x46: {  	[tilespmem:s17], [sflag:$0x2] =	stream.linear.gather [hbm4b:s3+s2], $0x80, $0x38;
	[tilespmem:$0x1E900] =	vst v63  }
0x47: {  	_ =	swait.ge [sflag:s20], $0x4000  }
0x48: {  	s3 =	sadd.s32 $0x80, s30;
	[sflag:s20] =	ssyncset.done $0x0  }
0x49: {  	[sflag:s20] =	ssyncadd.s32 $0xFFFFC000  }
0x4a: {  	[tilespmem:s18], [sflag:$0x1] =	stream.indirect.gather [hbm4b:s4+s21], $0x80, s3, s21, $0xb8;
	[tilespmem:$0x1E900] =	vst v63  }
0x4b: {  	_ =	swait.ge [sflag:s24], $0x80  }
.Ltmp0:
0x4c: {  	s3 =	sand.u32 $0x7C00, s0;
	[sflag:s24] =	ssyncset.done $0x0;
	(pc) =	sbr.rel @p0 .LBB2_2-.Ltmp0, $4  }
0x4d: {  	s0 =	sand.u32 $0x380, s0;
	s3 =	sadd.s32 s6, s3;
	[sflag:s24] =	ssyncadd.s32 $0xFFFFFF80  }
0x4e: {  	[spmem:s1] =	stream.indirect.scatter.add.f32 [tilespmem:s22], [sflag:$0x4], $0x80, s19, s21, $0xb8;
	[tilespmem:$0x1E900] =	vst v63  }
0x4f: {  	s0 =	sor.u32 s0, s3;
	_ =	swait.ge [sflag:s14], $0x4000  }
0x50: {  	s31 =	sshrl.u32 s0, $0x3;
	[sflag:s14] =	ssyncset.done $0x0  }
0x51: {  	[sflag:s14] =	ssyncadd.s32 $0xFFFFC000;
	s0 =	sadd.s32 s5, s31  }
0x52: {  	[tilespmem:s19], [sflag:$0x3] =	stream.linear.gather [hbm4b:s0+s2], $0x80, $0x38;
	[tilespmem:$0x1E900] =	vst v63  }
0x53: {  	_ =	swait.ge [sflag:s20], $0x4000  }
0x54: {  	[sflag:s20] =	ssyncset.done $0x0  }
0x55: {  	[sflag:s20] =	ssyncadd.s32 $0xFFFFC000  }
0x56: {  	[tilespmem:s22], [sflag:$0x1] =	stream.indirect.gather [hbm4b:s4+s21], $0x80, s25, s21, $0xb8;
	[tilespmem:$0x1E900] =	vst v63  }
0x57: {  	_ =	swait.ge [sflag:s23], $0x80  }
0x58: {  	[sflag:s23] =	ssyncset.done $0x0  }
0x59: {  	[sflag:s23] =	ssyncadd.s32 $0xFFFFFF80  }
0x5a: {  	[spmem:s1] =	stream.indirect.scatter.add.f32 [tilespmem:s18], [sflag:$0x4], $0x80, s17, s21, $0xb8;
	[tilespmem:$0x1E900] =	vst v63  }
0x5b: {  	_ =	swait.ge [sflag:s14], $0x4000  }
0x5c: {  	[sflag:s14] =	ssyncset.done $0x0  }
0x5d: {  	[sflag:s14] =	ssyncadd.s32 $0xFFFFC000  }
0x5e: {  	[tilespmem:s17], [sflag:$0x2] =	stream.linear.gather [hbm4b:s12+s2], $0x80, $0x38;
	[tilespmem:$0x1E900] =	vst v63  }
0x5f: {  	_ =	swait.ge [sflag:s20], $0x4000  }
0x60: {  	[sflag:s20] =	ssyncset.done $0x0  }
0x61: {  	[sflag:s20] =	ssyncadd.s32 $0xFFFFC000  }
0x62: {  	[tilespmem:s18], [sflag:$0x1] =	stream.indirect.gather [hbm4b:s4+s21], $0x80, s26, s21, $0xb8;
	[tilespmem:$0x1E900] =	vst v63  }
0x63: {  	_ =	swait.ge [sflag:s24], $0x80  }
0x64: {  	[sflag:s24] =	ssyncset.done $0x0  }
0x65: {  	[sflag:s24] =	ssyncadd.s32 $0xFFFFFF80  }
0x66: {  	[spmem:s1] =	stream.indirect.scatter.add.f32 [tilespmem:s22], [sflag:$0x4], $0x80, s19, s21, $0xb8;
	[tilespmem:$0x1E900] =	vst v63  }
0x67: {  	_ =	swait.ge [sflag:s14], $0x4000  }
0x68: {  	[sflag:s14] =	ssyncset.done $0x0  }
0x69: {  	[sflag:s14] =	ssyncadd.s32 $0xFFFFC000  }
0x6a: {  	_ =	swait.ge [sflag:s20], $0x4000  }
0x6b: {  	[sflag:s20] =	ssyncset.done $0x0  }
0x6c: {  	[sflag:s20] =	ssyncadd.s32 $0xFFFFC000  }
0x6d: {  	_ =	swait.ge [sflag:s23], $0x80  }
0x6e: {  	[sflag:s23] =	ssyncset.done $0x0  }
0x6f: {  	[sflag:s23] =	ssyncadd.s32 $0xFFFFFF80  }
0x70: {  	[spmem:s1] =	stream.indirect.scatter.add.f32 [tilespmem:s18], [sflag:$0x4], $0x80, s17, s21, $0xb8;
	[tilespmem:$0x1E900] =	vst v63  }
0x71: {  	_ =	swait.ge [sflag:s14], $0x4000  }
0x72: {  	s28 =	sadd.s32 $0x1, s28;
	[sflag:s14] =	ssyncset.done $0x0  }
0x73: {  	p0 =	sne.s32 s28, s11;
	[sflag:s14] =	ssyncadd.s32 $0xFFFFC000  }
.Ltmp1:
0x74: {  	[bflag:$0x0] =	sbarrier.arrive $0xFFFF;
	(pc) =	sbr.rel @p0 .LBB2_1-.Ltmp1, $4  }
0x75: {  	[hbm:s10], [sflag:s15] =	dma.local [spmem:s16], $0x2800  }
0x76: {  	_ =	swait.ge [sflag:s14], $0x2800  }
0x77: {  	[sflag:s14] =	ssyncset.done $0x0  }
0x78: {  	[sflag:s14] =	ssyncadd.s32 $0xFFFFD800  }
0x79: {  	_ =	sfence.sel $0x180000  }
0x7a: {  	[bflag:$0x0] =	sbarrier.arrive $0xFFFF  }
0x7b: {  	_ =	strace $0x90000047  }
0x7c: {  	s0 =	stileid.u32;
	[bflag:$0x2] =	sbarrier.arrive $0xFFFF  }
0x7d: {  	p0 =	sne.s32 s0, $0x0;
	s0 =	rddreg [dreg:$0x3]  }
0x7e: {  	s0 =	sadd.s32 @!p0 $0x100000, s0  }
0x7f: {  	[sflag:s0] =	ssyncadd.tile.s32 @!p0 $0x1;
	_ =	shalt  }
.Lfunc_end2:
_tile_overlayer_lowered:
.L_overlay_start_2:
0x80: {  	(tag) =	ssettag $0x2  }
0x81: {  	s0 =	rddreg [dreg:$0x0];
	s2 =	stileid.u32  }
0x82: {  	s1 =	rddreg [dreg:$0x1];
	p0 =	sne.s32 s2, $0x0  }
0x83: {  	s3 =	rddreg [dreg:$0x2];
	[bflag:$0x3] =	sbarrier.arrive $0xFFFF;
	s2 =	simm.s32 @!p0 $0x1C04  }
0x84: {  	[timem:s3], [sflag:s2] =	dma.local @!p0 [hbm:s0], s1  }
0x85: {  	s0 =	simm.s32 @!p0 $0x4  }
0x86: {  	_ =	swait.ge @!p0 [sflag:s0], s1  }
0x87: {  	s1 =	ssub.s32 @!p0 $0x0, s1;
	[sflag:s0] =	ssyncset.done @!p0 $0x0  }
0x88: {  	[sflag:s0] =	ssyncadd.s32 @!p0 s1  }
0x89: {  	[bflag:$0x3] =	sbarrier.arrive $0xFFFF  }
0x8a: {  	_ =	shalt  }

</sc_bundles>
